<compile_context>
chip_gen: v7x
topology: tpu7x:2x2x1
jax: 0.10.2.dev20260603
libtpu: 0.0.44.dev20260713+nightly
codegen_flags: <defaults>
</compile_context>

<pallas_src>
import functools

import jax
import jax.numpy as jnp
from jax import lax
from jax.experimental import pallas as pl
from jax.experimental.pallas import tpu as pltpu
from jax.experimental.pallas import tpu_sc as plsc

L = 16
NC = 1
NS = 16
NW = NC * NS


def _lane_gather(vec, idx):
    return jnp.take_along_axis(vec, idx, axis=0, mode="promise_in_bounds")


def kernel(source, target, emb, W, b):
    n = source.shape[0]
    rows = emb.shape[0]
    chunk = n // NW

    def _sc_body(src_hbm, tgt_hbm, emb_hbm, w_hbm, b_hbm, out_hbm,
                 src_v, tgt_v, out_v, emb_v, w_v, b_v, sem):
        wid = lax.axis_index("s") * NC + lax.axis_index("c")
        base = wid * chunk

        c1 = pltpu.async_copy(emb_hbm, emb_v, sem)
        c2 = pltpu.async_copy(w_hbm, w_v, sem)
        c3 = pltpu.async_copy(b_hbm, b_v.at[pl.ds(0, 1)], sem)
        c4 = pltpu.async_copy(src_hbm.at[pl.ds(base, chunk)], src_v, sem)
        c5 = pltpu.async_copy(tgt_hbm.at[pl.ds(base, chunk)], tgt_v, sem)
        c1.wait()
        c2.wait()
        c3.wait()

        w_reg = w_v[...]
        lane = lax.iota(jnp.int32, L)
        v_acc = jnp.zeros((L,), jnp.float32)
        for r in range(rows):
            s_r = jnp.sum(emb_v[r] * w_reg)
            v_acc = jnp.where(lane == r, s_r, v_acc)
        v_b = v_acc + jnp.full((L,), b_v[...][0])

        c4.wait()
        c5.wait()

        for i in range(chunk // L):
            s_idx = src_v[pl.ds(i * L, L)]
            t_idx = tgt_v[pl.ds(i * L, L)]
            vs = _lane_gather(v_b, s_idx)
            vt = _lane_gather(v_acc, t_idx)
            out_v[pl.ds(i * L, L)] = vs + vt
        c6 = pltpu.async_copy(out_v, out_hbm.at[pl.ds(base, chunk)], sem)
        c6.wait()

    mesh = plsc.VectorSubcoreMesh(
        core_axis_name="c", subcore_axis_name="s", num_cores=NC)
    k = functools.partial(
        pl.kernel,
        mesh=mesh,
        out_type=jax.ShapeDtypeStruct((n,), jnp.float32),
        compiler_params=pltpu.CompilerParams(needs_layout_passes=False),
        scratch_types=[
            pltpu.VMEM((chunk,), jnp.int32),
            pltpu.VMEM((chunk,), jnp.int32),
            pltpu.VMEM((chunk,), jnp.float32),
            pltpu.VMEM((rows, L), jnp.float32),
            pltpu.VMEM((L,), jnp.float32),
            pltpu.VMEM((L,), jnp.float32),
            pltpu.SemaphoreType.DMA,
        ],
    )(_sc_body)
    out = k(source.astype(jnp.int32), target.astype(jnp.int32),
            emb.astype(jnp.float32), W.astype(jnp.float32).reshape(L),
            b.astype(jnp.float32))
    return out.reshape(n, 1)

# --- scband reference (transcript-rebuilt; emitter-appended) ---
"""Pipeline reference for scband-blockchain-model-26869315404452 (READ-ONLY COPY).

The authoritative reference and input builder live on the scoring server;
editing this copy changes nothing except your own understanding.
"""

import jax, jax.numpy as jnp
import numpy as np

def setup_inputs(seed: int = 0) -> dict:
    key = jax.random.key(seed)
    k1, k2, k3, k4, k5 = jax.random.split(key, 5)
    source = jax.random.randint(k1, (16384,), 0, 10, dtype=jnp.int64) if jax.config.jax_enable_x64 else jax.random.randint(k1, (16384,), 0, 10, dtype=jnp.int32)
    target = jax.random.randint(k2, (16384,), 0, 10, dtype=jnp.int32)
    source = source.astype(jnp.int32)
    emb = jax.random.normal(k3, (10, 16), dtype=jnp.float32)
    W = jax.random.normal(k4, (16, 1), dtype=jnp.float32) * (1.0 / np.sqrt(16.0))
    b = jnp.zeros((1,), dtype=jnp.float32)
    return {"source": source, "target": target, "emb": emb, "W": W, "b": b}

def reference(source, target, emb, W, b):
    source_embed = jnp.take(emb, source, axis=0)
    target_embed = jnp.take(emb, target, axis=0)
    combined = source_embed + target_embed
    return combined @ W + b

if __name__ == "__main__":
    import jax
    _d = setup_inputs()
    print(jax.jit(kernel)(*tuple(_d.values())))

</pallas_src>

<mosaic_0001>
#map = affine_map<(d0, d1) -> (0)>
#map1 = affine_map<(d0, d1) -> (0, 0)>
module attributes {stable_mosaic.version = 14 : i64} {
  func.func @_sc_body(%arg0: i32, %arg1: i32, %arg2: memref<16384xi32, #tpu.memory_space<hbm>>, %arg3: memref<16384xi32, #tpu.memory_space<hbm>>, %arg4: memref<10x16xf32, #tpu.memory_space<hbm>>, %arg5: memref<16xf32, #tpu.memory_space<hbm>>, %arg6: memref<1xf32, #tpu.memory_space<hbm>>, %arg7: memref<16384xf32, #tpu.memory_space<hbm>>, %arg8: memref<1024xi32, #tpu.memory_space<vmem>>, %arg9: memref<1024xi32, #tpu.memory_space<vmem>>, %arg10: memref<1024xf32, #tpu.memory_space<vmem>>, %arg11: memref<10x16xf32, #tpu.memory_space<vmem>>, %arg12: memref<16xf32, #tpu.memory_space<vmem>>, %arg13: memref<16xf32, #tpu.memory_space<vmem>>, %arg14: memref<!tpu.dma_semaphore, #tpu.memory_space<semaphore_mem>>) attributes {dimension_semantics = [#tpu.dimension_semantics<core_parallel>, #tpu.dimension_semantics<subcore_parallel>], iteration_bounds = array<i64: 1, 16>, scalar_prefetch = 0 : i64, scratch_operands = 7 : i64, tpu.core_type = #tpu.core_type<sc_vector_subcore>, window_params = [{transform_indices = #map}, {transform_indices = #map}, {transform_indices = #map1}, {transform_indices = #map}, {transform_indices = #map}, {transform_indices = #map}]} {
    %mul3A = arith.constant 1 : i32
    %mul3A_0 = arith.muli %arg1, %mul3A : i32
    %add3A = arith.addi %mul3A_0, %arg0 : i32
    %mul3A_1 = arith.constant 1024 : i32
    %mul3A_2 = arith.muli %add3A, %mul3A_1 : i32
    tpu.enqueue_dma source(%arg4 : memref<10x16xf32, #tpu.memory_space<hbm>>) target(%arg11 : memref<10x16xf32, #tpu.memory_space<vmem>>) target_semaphore(%arg14 : memref<!tpu.dma_semaphore, #tpu.memory_space<semaphore_mem>>)
    tpu.enqueue_dma source(%arg5 : memref<16xf32, #tpu.memory_space<hbm>>) target(%arg12 : memref<16xf32, #tpu.memory_space<vmem>>) target_semaphore(%arg14 : memref<!tpu.dma_semaphore, #tpu.memory_space<semaphore_mem>>)
    %dma_start3A = arith.constant 0 : i32
    %dma_start3A_3 = tpu.memref_slice %arg13[%dma_start3A] : memref<16xf32, #tpu.memory_space<vmem>> -> memref<1xf32, #tpu.memory_space<vmem>>
    %dma_start3A_4 = arith.constant 0 : i32
    %dma_start3A_5 = tpu.memref_slice %arg13[%dma_start3A_4] : memref<16xf32, #tpu.memory_space<vmem>> -> memref<1xf32, #tpu.memory_space<vmem>>
    tpu.enqueue_dma source(%arg6 : memref<1xf32, #tpu.memory_space<hbm>>) target(%dma_start3A_5 : memref<1xf32, #tpu.memory_space<vmem>>) target_semaphore(%arg14 : memref<!tpu.dma_semaphore, #tpu.memory_space<semaphore_mem>>)
    %dma_start3A_6 = tpu.memref_slice %arg2[%mul3A_2] : memref<16384xi32, #tpu.memory_space<hbm>> -> memref<1024xi32, #tpu.memory_space<hbm>>
    %dma_start3A_7 = tpu.memref_slice %arg2[%mul3A_2] : memref<16384xi32, #tpu.memory_space<hbm>> -> memref<1024xi32, #tpu.memory_space<hbm>>
    tpu.enqueue_dma source(%dma_start3A_7 : memref<1024xi32, #tpu.memory_space<hbm>>) target(%arg8 : memref<1024xi32, #tpu.memory_space<vmem>>) target_semaphore(%arg14 : memref<!tpu.dma_semaphore, #tpu.memory_space<semaphore_mem>>)
    %dma_start3A_8 = tpu.memref_slice %arg3[%mul3A_2] : memref<16384xi32, #tpu.memory_space<hbm>> -> memref<1024xi32, #tpu.memory_space<hbm>>
    %dma_start3A_9 = tpu.memref_slice %arg3[%mul3A_2] : memref<16384xi32, #tpu.memory_space<hbm>> -> memref<1024xi32, #tpu.memory_space<hbm>>
    tpu.enqueue_dma source(%dma_start3A_9 : memref<1024xi32, #tpu.memory_space<hbm>>) target(%arg9 : memref<1024xi32, #tpu.memory_space<vmem>>) target_semaphore(%arg14 : memref<!tpu.dma_semaphore, #tpu.memory_space<semaphore_mem>>)
    tpu.wait_dma2 semaphore(%arg14 : memref<!tpu.dma_semaphore, #tpu.memory_space<semaphore_mem>>) src(%arg4 : memref<10x16xf32, #tpu.memory_space<hbm>>) dst(%arg11 : memref<10x16xf32, #tpu.memory_space<vmem>>)
    tpu.wait_dma2 semaphore(%arg14 : memref<!tpu.dma_semaphore, #tpu.memory_space<semaphore_mem>>) src(%arg5 : memref<16xf32, #tpu.memory_space<hbm>>) dst(%arg12 : memref<16xf32, #tpu.memory_space<vmem>>)
    %dma_wait3A = arith.constant 0 : i32
    %dma_wait3A_10 = tpu.memref_slice %arg13[%dma_wait3A] : memref<16xf32, #tpu.memory_space<vmem>> -> memref<1xf32, #tpu.memory_space<vmem>>
    %dma_wait3A_11 = arith.constant 0 : i32
    %dma_wait3A_12 = tpu.memref_slice %arg13[%dma_wait3A_11] : memref<16xf32, #tpu.memory_space<vmem>> -> memref<1xf32, #tpu.memory_space<vmem>>
    tpu.wait_dma2 semaphore(%arg14 : memref<!tpu.dma_semaphore, #tpu.memory_space<semaphore_mem>>) src(%arg6 : memref<1xf32, #tpu.memory_space<hbm>>) dst(%dma_wait3A_12 : memref<1xf32, #tpu.memory_space<vmem>>)
    %get3A = arith.constant 0 : index
    %get3A_13 = tpu.vector_load %arg12[%get3A] {strides = array<i32>} : memref<16xf32, #tpu.memory_space<vmem>>, vector<16xf32>,
    %iota3A = tpu.iota {dimensions = array<i32: 0>} : vector<16xi32>
    %broadcast_in_dim3A = arith.constant 0.000000e+00 : f32
    %broadcast_in_dim3A_14 = vector.broadcast %broadcast_in_dim3A : f32 to vector<16xf32>
    %get3A_15 = arith.constant 0 : i32
    %get3A_16 = arith.index_cast %get3A_15 : i32 to index
    %get3A_17 = arith.constant 0 : index
    %get3A_18 = tpu.vector_load %arg11[%get3A_16, %get3A_17] {strides = array<i32>} : memref<10x16xf32, #tpu.memory_space<vmem>>, vector<16xf32>,
    %mul3A_19 = arith.mulf %get3A_18, %get3A_13 : vector<16xf32>
    %reduce_sum3A = arith.constant true
    %reduce_sum3A_20 = vector.broadcast %reduce_sum3A : i1 to vector<16xi1>
    %reduce_sum3A_21 = tpu.scan <sum>, %mul3A_19 masked %reduce_sum3A_20 : vector<16xf32>, vector<16xi1> -> vector<16xf32>
    %reduce_sum3A_22 = vector.extract %reduce_sum3A_21[15] : f32 from vector<16xf32>
    %eq3A = arith.constant 0 : i32
    %eq3A_23 = vector.broadcast %eq3A : i32 to vector<16xi32>
    %eq3A_24 = arith.cmpi eq, %iota3A, %eq3A_23 : vector<16xi32>
    %broadcast_in_dim3A_25 = vector.broadcast %reduce_sum3A_22 : f32 to vector<16xf32>
    %select_n3A = arith.select %eq3A_24, %broadcast_in_dim3A_25, %broadcast_in_dim3A_14 : vector<16xi1>, vector<16xf32>
    %get3A_26 = arith.constant 1 : i32
    %get3A_27 = arith.index_cast %get3A_26 : i32 to index
    %get3A_28 = arith.constant 0 : index
    %get3A_29 = tpu.vector_load %arg11[%get3A_27, %get3A_28] {strides = array<i32>} : memref<10x16xf32, #tpu.memory_space<vmem>>, vector<16xf32>,
    %mul3A_30 = arith.mulf %get3A_29, %get3A_13 : vector<16xf32>
    %reduce_sum3A_31 = arith.constant true
    %reduce_sum3A_32 = vector.broadcast %reduce_sum3A_31 : i1 to vector<16xi1>
    %reduce_sum3A_33 = tpu.scan <sum>, %mul3A_30 masked %reduce_sum3A_32 : vector<16xf32>, vector<16xi1> -> vector<16xf32>
    %reduce_sum3A_34 = vector.extract %reduce_sum3A_33[15] : f32 from vector<16xf32>
    %eq3A_35 = arith.constant 1 : i32
    %eq3A_36 = vector.broadcast %eq3A_35 : i32 to vector<16xi32>
    %eq3A_37 = arith.cmpi eq, %iota3A, %eq3A_36 : vector<16xi32>
    %broadcast_in_dim3A_38 = vector.broadcast %reduce_sum3A_34 : f32 to vector<16xf32>
    %select_n3A_39 = arith.select %eq3A_37, %broadcast_in_dim3A_38, %select_n3A : vector<16xi1>, vector<16xf32>
    %get3A_40 = arith.constant 2 : i32
    %get3A_41 = arith.index_cast %get3A_40 : i32 to index
    %get3A_42 = arith.constant 0 : index
    %get3A_43 = tpu.vector_load %arg11[%get3A_41, %get3A_42] {strides = array<i32>} : memref<10x16xf32, #tpu.memory_space<vmem>>, vector<16xf32>,
    %mul3A_44 = arith.mulf %get3A_43, %get3A_13 : vector<16xf32>
    %reduce_sum3A_45 = arith.constant true
    %reduce_sum3A_46 = vector.broadcast %reduce_sum3A_45 : i1 to vector<16xi1>
    %reduce_sum3A_47 = tpu.scan <sum>, %mul3A_44 masked %reduce_sum3A_46 : vector<16xf32>, vector<16xi1> -> vector<16xf32>
    %reduce_sum3A_48 = vector.extract %reduce_sum3A_47[15] : f32 from vector<16xf32>
    %eq3A_49 = arith.constant 2 : i32
    %eq3A_50 = vector.broadcast %eq3A_49 : i32 to vector<16xi32>
    %eq3A_51 = arith.cmpi eq, %iota3A, %eq3A_50 : vector<16xi32>
    %broadcast_in_dim3A_52 = vector.broadcast %reduce_sum3A_48 : f32 to vector<16xf32>
    %select_n3A_53 = arith.select %eq3A_51, %broadcast_in_dim3A_52, %select_n3A_39 : vector<16xi1>, vector<16xf32>
    %get3A_54 = arith.constant 3 : i32
    %get3A_55 = arith.index_cast %get3A_54 : i32 to index
    %get3A_56 = arith.constant 0 : index
    %get3A_57 = tpu.vector_load %arg11[%get3A_55, %get3A_56] {strides = array<i32>} : memref<10x16xf32, #tpu.memory_space<vmem>>, vector<16xf32>,
    %mul3A_58 = arith.mulf %get3A_57, %get3A_13 : vector<16xf32>
    %reduce_sum3A_59 = arith.constant true
    %reduce_sum3A_60 = vector.broadcast %reduce_sum3A_59 : i1 to vector<16xi1>
    %reduce_sum3A_61 = tpu.scan <sum>, %mul3A_58 masked %reduce_sum3A_60 : vector<16xf32>, vector<16xi1> -> vector<16xf32>
    %reduce_sum3A_62 = vector.extract %reduce_sum3A_61[15] : f32 from vector<16xf32>
    %eq3A_63 = arith.constant 3 : i32
    %eq3A_64 = vector.broadcast %eq3A_63 : i32 to vector<16xi32>
    %eq3A_65 = arith.cmpi eq, %iota3A, %eq3A_64 : vector<16xi32>
    %broadcast_in_dim3A_66 = vector.broadcast %reduce_sum3A_62 : f32 to vector<16xf32>
    %select_n3A_67 = arith.select %eq3A_65, %broadcast_in_dim3A_66, %select_n3A_53 : vector<16xi1>, vector<16xf32>
    %get3A_68 = arith.constant 4 : i32
    %get3A_69 = arith.index_cast %get3A_68 : i32 to index
    %get3A_70 = arith.constant 0 : index
    %get3A_71 = tpu.vector_load %arg11[%get3A_69, %get3A_70] {strides = array<i32>} : memref<10x16xf32, #tpu.memory_space<vmem>>, vector<16xf32>,
    %mul3A_72 = arith.mulf %get3A_71, %get3A_13 : vector<16xf32>
    %reduce_sum3A_73 = arith.constant true
    %reduce_sum3A_74 = vector.broadcast %reduce_sum3A_73 : i1 to vector<16xi1>
    %reduce_sum3A_75 = tpu.scan <sum>, %mul3A_72 masked %reduce_sum3A_74 : vector<16xf32>, vector<16xi1> -> vector<16xf32>
    %reduce_sum3A_76 = vector.extract %reduce_sum3A_75[15] : f32 from vector<16xf32>
    %eq3A_77 = arith.constant 4 : i32
    %eq3A_78 = vector.broadcast %eq3A_77 : i32 to vector<16xi32>
    %eq3A_79 = arith.cmpi eq, %iota3A, %eq3A_78 : vector<16xi32>
    %broadcast_in_dim3A_80 = vector.broadcast %reduce_sum3A_76 : f32 to vector<16xf32>
    %select_n3A_81 = arith.select %eq3A_79, %broadcast_in_dim3A_80, %select_n3A_67 : vector<16xi1>, vector<16xf32>
    %get3A_82 = arith.constant 5 : i32
    %get3A_83 = arith.index_cast %get3A_82 : i32 to index
    %get3A_84 = arith.constant 0 : index
    %get3A_85 = tpu.vector_load %arg11[%get3A_83, %get3A_84] {strides = array<i32>} : memref<10x16xf32, #tpu.memory_space<vmem>>, vector<16xf32>,
    %mul3A_86 = arith.mulf %get3A_85, %get3A_13 : vector<16xf32>
    %reduce_sum3A_87 = arith.constant true
    %reduce_sum3A_88 = vector.broadcast %reduce_sum3A_87 : i1 to vector<16xi1>
    %reduce_sum3A_89 = tpu.scan <sum>, %mul3A_86 masked %reduce_sum3A_88 : vector<16xf32>, vector<16xi1> -> vector<16xf32>
    %reduce_sum3A_90 = vector.extract %reduce_sum3A_89[15] : f32 from vector<16xf32>
    %eq3A_91 = arith.constant 5 : i32
    %eq3A_92 = vector.broadcast %eq3A_91 : i32 to vector<16xi32>
    %eq3A_93 = arith.cmpi eq, %iota3A, %eq3A_92 : vector<16xi32>
    %broadcast_in_dim3A_94 = vector.broadcast %reduce_sum3A_90 : f32 to vector<16xf32>
    %select_n3A_95 = arith.select %eq3A_93, %broadcast_in_dim3A_94, %select_n3A_81 : vector<16xi1>, vector<16xf32>
    %get3A_96 = arith.constant 6 : i32
    %get3A_97 = arith.index_cast %get3A_96 : i32 to index
    %get3A_98 = arith.constant 0 : index
    %get3A_99 = tpu.vector_load %arg11[%get3A_97, %get3A_98] {strides = array<i32>} : memref<10x16xf32, #tpu.memory_space<vmem>>, vector<16xf32>,
    %mul3A_100 = arith.mulf %get3A_99, %get3A_13 : vector<16xf32>
    %reduce_sum3A_101 = arith.constant true
    %reduce_sum3A_102 = vector.broadcast %reduce_sum3A_101 : i1 to vector<16xi1>
    %reduce_sum3A_103 = tpu.scan <sum>, %mul3A_100 masked %reduce_sum3A_102 : vector<16xf32>, vector<16xi1> -> vector<16xf32>
    %reduce_sum3A_104 = vector.extract %reduce_sum3A_103[15] : f32 from vector<16xf32>
    %eq3A_105 = arith.constant 6 : i32
    %eq3A_106 = vector.broadcast %eq3A_105 : i32 to vector<16xi32>
    %eq3A_107 = arith.cmpi eq, %iota3A, %eq3A_106 : vector<16xi32>
    %broadcast_in_dim3A_108 = vector.broadcast %reduce_sum3A_104 : f32 to vector<16xf32>
    %select_n3A_109 = arith.select %eq3A_107, %broadcast_in_dim3A_108, %select_n3A_95 : vector<16xi1>, vector<16xf32>
    %get3A_110 = arith.constant 7 : i32
    %get3A_111 = arith.index_cast %get3A_110 : i32 to index
    %get3A_112 = arith.constant 0 : index
    %get3A_113 = tpu.vector_load %arg11[%get3A_111, %get3A_112] {strides = array<i32>} : memref<10x16xf32, #tpu.memory_space<vmem>>, vector<16xf32>,
    %mul3A_114 = arith.mulf %get3A_113, %get3A_13 : vector<16xf32>
    %reduce_sum3A_115 = arith.constant true
    %reduce_sum3A_116 = vector.broadcast %reduce_sum3A_115 : i1 to vector<16xi1>
    %reduce_sum3A_117 = tpu.scan <sum>, %mul3A_114 masked %reduce_sum3A_116 : vector<16xf32>, vector<16xi1> -> vector<16xf32>
    %reduce_sum3A_118 = vector.extract %reduce_sum3A_117[15] : f32 from vector<16xf32>
    %eq3A_119 = arith.constant 7 : i32
    %eq3A_120 = vector.broadcast %eq3A_119 : i32 to vector<16xi32>
    %eq3A_121 = arith.cmpi eq, %iota3A, %eq3A_120 : vector<16xi32>
    %broadcast_in_dim3A_122 = vector.broadcast %reduce_sum3A_118 : f32 to vector<16xf32>
    %select_n3A_123 = arith.select %eq3A_121, %broadcast_in_dim3A_122, %select_n3A_109 : vector<16xi1>, vector<16xf32>
    %get3A_124 = arith.constant 8 : i32
    %get3A_125 = arith.index_cast %get3A_124 : i32 to index
    %get3A_126 = arith.constant 0 : index
    %get3A_127 = tpu.vector_load %arg11[%get3A_125, %get3A_126] {strides = array<i32>} : memref<10x16xf32, #tpu.memory_space<vmem>>, vector<16xf32>,
    %mul3A_128 = arith.mulf %get3A_127, %get3A_13 : vector<16xf32>
    %reduce_sum3A_129 = arith.constant true
    %reduce_sum3A_130 = vector.broadcast %reduce_sum3A_129 : i1 to vector<16xi1>
    %reduce_sum3A_131 = tpu.scan <sum>, %mul3A_128 masked %reduce_sum3A_130 : vector<16xf32>, vector<16xi1> -> vector<16xf32>
    %reduce_sum3A_132 = vector.extract %reduce_sum3A_131[15] : f32 from vector<16xf32>
    %eq3A_133 = arith.constant 8 : i32
    %eq3A_134 = vector.broadcast %eq3A_133 : i32 to vector<16xi32>
    %eq3A_135 = arith.cmpi eq, %iota3A, %eq3A_134 : vector<16xi32>
    %broadcast_in_dim3A_136 = vector.broadcast %reduce_sum3A_132 : f32 to vector<16xf32>
    %select_n3A_137 = arith.select %eq3A_135, %broadcast_in_dim3A_136, %select_n3A_123 : vector<16xi1>, vector<16xf32>
    %get3A_138 = arith.constant 9 : i32
    %get3A_139 = arith.index_cast %get3A_138 : i32 to index
    %get3A_140 = arith.constant 0 : index
    %get3A_141 = tpu.vector_load %arg11[%get3A_139, %get3A_140] {strides = array<i32>} : memref<10x16xf32, #tpu.memory_space<vmem>>, vector<16xf32>,
    %mul3A_142 = arith.mulf %get3A_141, %get3A_13 : vector<16xf32>
    %reduce_sum3A_143 = arith.constant true
    %reduce_sum3A_144 = vector.broadcast %reduce_sum3A_143 : i1 to vector<16xi1>
    %reduce_sum3A_145 = tpu.scan <sum>, %mul3A_142 masked %reduce_sum3A_144 : vector<16xf32>, vector<16xi1> -> vector<16xf32>
    %reduce_sum3A_146 = vector.extract %reduce_sum3A_145[15] : f32 from vector<16xf32>
    %eq3A_147 = arith.constant 9 : i32
    %eq3A_148 = vector.broadcast %eq3A_147 : i32 to vector<16xi32>
    %eq3A_149 = arith.cmpi eq, %iota3A, %eq3A_148 : vector<16xi32>
    %broadcast_in_dim3A_150 = vector.broadcast %reduce_sum3A_146 : f32 to vector<16xf32>
    %select_n3A_151 = arith.select %eq3A_149, %broadcast_in_dim3A_150, %select_n3A_137 : vector<16xi1>, vector<16xf32>
    %get3A_152 = arith.constant 0 : index
    %get3A_153 = tpu.vector_load %arg13[%get3A_152] {strides = array<i32>} : memref<16xf32, #tpu.memory_space<vmem>>, vector<16xf32>,
    %slice3A = vector.extract_strided_slice %get3A_153 {offsets = [0], sizes = [1], strides = [1]} : vector<16xf32> to vector<1xf32>
    %squeeze3A = vector.extract %slice3A[0] : f32 from vector<1xf32>
    %broadcast_in_dim3A_154 = vector.broadcast %squeeze3A : f32 to vector<16xf32>
    %add3A_155 = arith.addf %select_n3A_151, %broadcast_in_dim3A_154 : vector<16xf32>
    %dma_wait3A_156 = tpu.memref_slice %arg2[%mul3A_2] : memref<16384xi32, #tpu.memory_space<hbm>> -> memref<1024xi32, #tpu.memory_space<hbm>>
    %dma_wait3A_157 = tpu.memref_slice %arg2[%mul3A_2] : memref<16384xi32, #tpu.memory_space<hbm>> -> memref<1024xi32, #tpu.memory_space<hbm>>
    tpu.wait_dma2 semaphore(%arg14 : memref<!tpu.dma_semaphore, #tpu.memory_space<semaphore_mem>>) src(%dma_wait3A_157 : memref<1024xi32, #tpu.memory_space<hbm>>) dst(%arg8 : memref<1024xi32, #tpu.memory_space<vmem>>)
    %dma_wait3A_158 = tpu.memref_slice %arg3[%mul3A_2] : memref<16384xi32, #tpu.memory_space<hbm>> -> memref<1024xi32, #tpu.memory_space<hbm>>
    %dma_wait3A_159 = tpu.memref_slice %arg3[%mul3A_2] : memref<16384xi32, #tpu.memory_space<hbm>> -> memref<1024xi32, #tpu.memory_space<hbm>>
    tpu.wait_dma2 semaphore(%arg14 : memref<!tpu.dma_semaphore, #tpu.memory_space<semaphore_mem>>) src(%dma_wait3A_159 : memref<1024xi32, #tpu.memory_space<hbm>>) dst(%arg9 : memref<1024xi32, #tpu.memory_space<vmem>>)
    %get3A_160 = arith.constant 0 : index
    %get3A_161 = tpu.vector_load %arg8[%get3A_160] {strides = array<i32>} : memref<1024xi32, #tpu.memory_space<vmem>>, vector<16xi32>,
    %get3A_162 = arith.constant 0 : index
    %get3A_163 = tpu.vector_load %arg9[%get3A_162] {strides = array<i32>} : memref<1024xi32, #tpu.memory_space<vmem>>, vector<16xi32>,
    %reshape3A = vector.shape_cast %get3A_161 : vector<16xi32> to vector<16x1xi32>
    %gather3A = vector.shape_cast %reshape3A : vector<16x1xi32> to vector<16xi32>
    %gather3A_164 = tpu.dynamic_gather %add3A_155[%gather3A] in [0] : vector<16xf32>, vector<16xi32> -> vector<16xf32>
    %reshape3A_165 = vector.shape_cast %get3A_163 : vector<16xi32> to vector<16x1xi32>
    %gather3A_166 = vector.shape_cast %reshape3A_165 : vector<16x1xi32> to vector<16xi32>
    %gather3A_167 = tpu.dynamic_gather %select_n3A_151[%gather3A_166] in [0] : vector<16xf32>, vector<16xi32> -> vector<16xf32>
    %add3A_168 = arith.addf %gather3A_164, %gather3A_167 : vector<16xf32>
    %swap3A = arith.constant 0 : index
    %swap3A_169 = tpu.vector_load %arg10[%swap3A] {strides = array<i32>} : memref<1024xf32, #tpu.memory_space<vmem>>, vector<16xf32>,
    tpu.vector_store %arg10[%swap3A], %add3A_168 {strides = array<i32>} : memref<1024xf32, #tpu.memory_space<vmem>>, vector<16xf32>,
    %get3A_170 = arith.constant 16 : index
    %get3A_171 = tpu.vector_load %arg8[%get3A_170] {strides = array<i32>} : memref<1024xi32, #tpu.memory_space<vmem>>, vector<16xi32>,
    %get3A_172 = arith.constant 16 : index
    %get3A_173 = tpu.vector_load %arg9[%get3A_172] {strides = array<i32>} : memref<1024xi32, #tpu.memory_space<vmem>>, vector<16xi32>,
    %reshape3A_174 = vector.shape_cast %get3A_171 : vector<16xi32> to vector<16x1xi32>
    %gather3A_175 = vector.shape_cast %reshape3A_174 : vector<16x1xi32> to vector<16xi32>
    %gather3A_176 = tpu.dynamic_gather %add3A_155[%gather3A_175] in [0] : vector<16xf32>, vector<16xi32> -> vector<16xf32>
    %reshape3A_177 = vector.shape_cast %get3A_173 : vector<16xi32> to vector<16x1xi32>
    %gather3A_178 = vector.shape_cast %reshape3A_177 : vector<16x1xi32> to vector<16xi32>
    %gather3A_179 = tpu.dynamic_gather %select_n3A_151[%gather3A_178] in [0] : vector<16xf32>, vector<16xi32> -> vector<16xf32>
    %add3A_180 = arith.addf %gather3A_176, %gather3A_179 : vector<16xf32>
    %swap3A_181 = arith.constant 16 : index
    %swap3A_182 = tpu.vector_load %arg10[%swap3A_181] {strides = array<i32>} : memref<1024xf32, #tpu.memory_space<vmem>>, vector<16xf32>,
    tpu.vector_store %arg10[%swap3A_181], %add3A_180 {strides = array<i32>} : memref<1024xf32, #tpu.memory_space<vmem>>, vector<16xf32>,
    %get3A_183 = arith.constant 32 : index
    %get3A_184 = tpu.vector_load %arg8[%get3A_183] {strides = array<i32>} : memref<1024xi32, #tpu.memory_space<vmem>>, vector<16xi32>,
    %get3A_185 = arith.constant 32 : index
    %get3A_186 = tpu.vector_load %arg9[%get3A_185] {strides = array<i32>} : memref<1024xi32, #tpu.memory_space<vmem>>, vector<16xi32>,
    %reshape3A_187 = vector.shape_cast %get3A_184 : vector<16xi32> to vector<16x1xi32>
    %gather3A_188 = vector.shape_cast %reshape3A_187 : vector<16x1xi32> to vector<16xi32>
    %gather3A_189 = tpu.dynamic_gather %add3A_155[%gather3A_188] in [0] : vector<16xf32>, vector<16xi32> -> vector<16xf32>
    %reshape3A_190 = vector.shape_cast %get3A_186 : vector<16xi32> to vector<16x1xi32>
    %gather3A_191 = vector.shape_cast %reshape3A_190 : vector<16x1xi32> to vector<16xi32>
    %gather3A_192 = tpu.dynamic_gather %select_n3A_151[%gather3A_191] in [0] : vector<16xf32>, vector<16xi32> -> vector<16xf32>
    %add3A_193 = arith.addf %gather3A_189, %gather3A_192 : vector<16xf32>
    %swap3A_194 = arith.constant 32 : index
    %swap3A_195 = tpu.vector_load %arg10[%swap3A_194] {strides = array<i32>} : memref<1024xf32, #tpu.memory_space<vmem>>, vector<16xf32>,
    tpu.vector_store %arg10[%swap3A_194], %add3A_193 {strides = array<i32>} : memref<1024xf32, #tpu.memory_space<vmem>>, vector<16xf32>,
    %get3A_196 = arith.constant 48 : index
    %get3A_197 = tpu.vector_load %arg8[%get3A_196] {strides = array<i32>} : memref<1024xi32, #tpu.memory_space<vmem>>, vector<16xi32>,
    %get3A_198 = arith.constant 48 : index
    %get3A_199 = tpu.vector_load %arg9[%get3A_198] {strides = array<i32>} : memref<1024xi32, #tpu.memory_space<vmem>>, vector<16xi32>,
    %reshape3A_200 = vector.shape_cast %get3A_197 : vector<16xi32> to vector<16x1xi32>
    %gather3A_201 = vector.shape_cast %reshape3A_200 : vector<16x1xi32> to vector<16xi32>
    %gather3A_202 = tpu.dynamic_gather %add3A_155[%gather3A_201] in [0] : vector<16xf32>, vector<16xi32> -> vector<16xf32>
    %reshape3A_203 = vector.shape_cast %get3A_199 : vector<16xi32> to vector<16x1xi32>
    %gather3A_204 = vector.shape_cast %reshape3A_203 : vector<16x1xi32> to vector<16xi32>
    %gather3A_205 = tpu.dynamic_gather %select_n3A_151[%gather3A_204] in [0] : vector<16xf32>, vector<16xi32> -> vector<16xf32>
    %add3A_206 = arith.addf %gather3A_202, %gather3A_205 : vector<16xf32>
    %swap3A_207 = arith.constant 48 : index
    %swap3A_208 = tpu.vector_load %arg10[%swap3A_207] {strides = array<i32>} : memref<1024xf32, #tpu.memory_space<vmem>>, vector<16xf32>,
    tpu.vector_store %arg10[%swap3A_207], %add3A_206 {strides = array<i32>} : memref<1024xf32, #tpu.memory_space<vmem>>, vector<16xf32>,
    %get3A_209 = arith.constant 64 : index
    %get3A_210 = tpu.vector_load %arg8[%get3A_209] {strides = array<i32>} : memref<1024xi32, #tpu.memory_space<vmem>>, vector<16xi32>,
    %get3A_211 = arith.constant 64 : index
    %get3A_212 = tpu.vector_load %arg9[%get3A_211] {strides = array<i32>} : memref<1024xi32, #tpu.memory_space<vmem>>, vector<16xi32>,
    %reshape3A_213 = vector.shape_cast %get3A_210 : vector<16xi32> to vector<16x1xi32>
    %gather3A_214 = vector.shape_cast %reshape3A_213 : vector<16x1xi32> to vector<16xi32>
    %gather3A_215 = tpu.dynamic_gather %add3A_155[%gather3A_214] in [0] : vector<16xf32>, vector<16xi32> -> vector<16xf32>
    %reshape3A_216 = vector.shape_cast %get3A_212 : vector<16xi32> to vector<16x1xi32>
    %gather3A_217 = vector.shape_cast %reshape3A_216 : vector<16x1xi32> to vector<16xi32>
    %gather3A_218 = tpu.dynamic_gather %select_n3A_151[%gather3A_217] in [0] : vector<16xf32>, vector<16xi32> -> vector<16xf32>
    %add3A_219 = arith.addf %gather3A_215, %gather3A_218 : vector<16xf32>
    %swap3A_220 = arith.constant 64 : index
    %swap3A_221 = tpu.vector_load %arg10[%swap3A_220] {strides = array<i32>} : memref<1024xf32, #tpu.memory_space<vmem>>, vector<16xf32>,
    tpu.vector_store %arg10[%swap3A_220], %add3A_219 {strides = array<i32>} : memref<1024xf32, #tpu.memory_space<vmem>>, vector<16xf32>,
    %get3A_222 = arith.constant 80 : index
    %get3A_223 = tpu.vector_load %arg8[%get3A_222] {strides = array<i32>} : memref<1024xi32, #tpu.memory_space<vmem>>, vector<16xi32>,
    %get3A_224 = arith.constant 80 : index
    %get3A_225 = tpu.vector_load %arg9[%get3A_224] {strides = array<i32>} : memref<1024xi32, #tpu.memory_space<vmem>>, vector<16xi32>,
    %reshape3A_226 = vector.shape_cast %get3A_223 : vector<16xi32> to vector<16x1xi32>
    %gather3A_227 = vector.shape_cast %reshape3A_226 : vector<16x1xi32> to vector<16xi32>
    %gather3A_228 = tpu.dynamic_gather %add3A_155[%gather3A_227] in [0] : vector<16xf32>, vector<16xi32> -> vector<16xf32>
    %reshape3A_229 = vector.shape_cast %get3A_225 : vector<16xi32> to vector<16x1xi32>
    %gather3A_230 = vector.shape_cast %reshape3A_229 : vector<16x1xi32> to vector<16xi32>
    %gather3A_231 = tpu.dynamic_gather %select_n3A_151[%gather3A_230] in [0] : vector<16xf32>, vector<16xi32> -> vector<16xf32>
    %add3A_232 = arith.addf %gather3A_228, %gather3A_231 : vector<16xf32>
    %swap3A_233 = arith.constant 80 : index
    %swap3A_234 = tpu.vector_load %arg10[%swap3A_233] {strides = array<i32>} : memref<1024xf32, #tpu.memory_space<vmem>>, vector<16xf32>,
    tpu.vector_store %arg10[%swap3A_233], %add3A_232 {strides = array<i32>} : memref<1024xf32, #tpu.memory_space<vmem>>, vector<16xf32>,
    %get3A_235 = arith.constant 96 : index
    %get3A_236 = tpu.vector_load %arg8[%get3A_235] {strides = array<i32>} : memref<1024xi32, #tpu.memory_space<vmem>>, vector<16xi32>,
    %get3A_237 = arith.constant 96 : index
    %get3A_238 = tpu.vector_load %arg9[%get3A_237] {strides = array<i32>} : memref<1024xi32, #tpu.memory_space<vmem>>, vector<16xi32>,
    %reshape3A_239 = vector.shape_cast %get3A_236 : vector<16xi32> to vector<16x1xi32>
    %gather3A_240 = vector.shape_cast %reshape3A_239 : vector<16x1xi32> to vector<16xi32>
    %gather3A_241 = tpu.dynamic_gather %add3A_155[%gather3A_240] in [0] : vector<16xf32>, vector<16xi32> -> vector<16xf32>
    %reshape3A_242 = vector.shape_cast %get3A_238 : vector<16xi32> to vector<16x1xi32>
    %gather3A_243 = vector.shape_cast %reshape3A_242 : vector<16x1xi32> to vector<16xi32>
    %gather3A_244 = tpu.dynamic_gather %select_n3A_151[%gather3A_243] in [0] : vector<16xf32>, vector<16xi32> -> vector<16xf32>
    %add3A_245 = arith.addf %gather3A_241, %gather3A_244 : vector<16xf32>
    %swap3A_246 = arith.constant 96 : index
    %swap3A_247 = tpu.vector_load %arg10[%swap3A_246] {strides = array<i32>} : memref<1024xf32, #tpu.memory_space<vmem>>, vector<16xf32>,
    tpu.vector_store %arg10[%swap3A_246], %add3A_245 {strides = array<i32>} : memref<1024xf32, #tpu.memory_space<vmem>>, vector<16xf32>,
    %get3A_248 = arith.constant 112 : index
    %get3A_249 = tpu.vector_load %arg8[%get3A_248] {strides = array<i32>} : memref<1024xi32, #tpu.memory_space<vmem>>, vector<16xi32>,
    %get3A_250 = arith.constant 112 : index
    %get3A_251 = tpu.vector_load %arg9[%get3A_250] {strides = array<i32>} : memref<1024xi32, #tpu.memory_space<vmem>>, vector<16xi32>,
    %reshape3A_252 = vector.shape_cast %get3A_249 : vector<16xi32> to vector<16x1xi32>
    %gather3A_253 = vector.shape_cast %reshape3A_252 : vector<16x1xi32> to vector<16xi32>
    %gather3A_254 = tpu.dynamic_gather %add3A_155[%gather3A_253] in [0] : vector<16xf32>, vector<16xi32> -> vector<16xf32>
    %reshape3A_255 = vector.shape_cast %get3A_251 : vector<16xi32> to vector<16x1xi32>
    %gather3A_256 = vector.shape_cast %reshape3A_255 : vector<16x1xi32> to vector<16xi32>
    %gather3A_257 = tpu.dynamic_gather %select_n3A_151[%gather3A_256] in [0] : vector<16xf32>, vector<16xi32> -> vector<16xf32>
    %add3A_258 = arith.addf %gather3A_254, %gather3A_257 : vector<16xf32>
    %swap3A_259 = arith.constant 112 : index
    %swap3A_260 = tpu.vector_load %arg10[%swap3A_259] {strides = array<i32>} : memref<1024xf32, #tpu.memory_space<vmem>>, vector<16xf32>,
    tpu.vector_store %arg10[%swap3A_259], %add3A_258 {strides = array<i32>} : memref<1024xf32, #tpu.memory_space<vmem>>, vector<16xf32>,
    %get3A_261 = arith.constant 128 : index
    %get3A_262 = tpu.vector_load %arg8[%get3A_261] {strides = array<i32>} : memref<1024xi32, #tpu.memory_space<vmem>>, vector<16xi32>,
    %get3A_263 = arith.constant 128 : index
    %get3A_264 = tpu.vector_load %arg9[%get3A_263] {strides = array<i32>} : memref<1024xi32, #tpu.memory_space<vmem>>, vector<16xi32>,
    %reshape3A_265 = vector.shape_cast %get3A_262 : vector<16xi32> to vector<16x1xi32>
    %gather3A_266 = vector.shape_cast %reshape3A_265 : vector<16x1xi32> to vector<16xi32>
    %gather3A_267 = tpu.dynamic_gather %add3A_155[%gather3A_266] in [0] : vector<16xf32>, vector<16xi32> -> vector<16xf32>
    %reshape3A_268 = vector.shape_cast %get3A_264 : vector<16xi32> to vector<16x1xi32>
    %gather3A_269 = vector.shape_cast %reshape3A_268 : vector<16x1xi32> to vector<16xi32>
    %gather3A_270 = tpu.dynamic_gather %select_n3A_151[%gather3A_269] in [0] : vector<16xf32>, vector<16xi32> -> vector<16xf32>
    %add3A_271 = arith.addf %gather3A_267, %gather3A_270 : vector<16xf32>
    %swap3A_272 = arith.constant 128 : index
    %swap3A_273 = tpu.vector_load %arg10[%swap3A_272] {strides = array<i32>} : memref<1024xf32, #tpu.memory_space<vmem>>, vector<16xf32>,
    tpu.vector_store %arg10[%swap3A_272], %add3A_271 {strides = array<i32>} : memref<1024xf32, #tpu.memory_space<vmem>>, vector<16xf32>,
    %get3A_274 = arith.constant 144 : index
    %get3A_275 = tpu.vector_load %arg8[%get3A_274] {strides = array<i32>} : memref<1024xi32, #tpu.memory_space<vmem>>, vector<16xi32>,
    %get3A_276 = arith.constant 144 : index
    %get3A_277 = tpu.vector_load %arg9[%get3A_276] {strides = array<i32>} : memref<1024xi32, #tpu.memory_space<vmem>>, vector<16xi32>,
    %reshape3A_278 = vector.shape_cast %get3A_275 : vector<16xi32> to vector<16x1xi32>
    %gather3A_279 = vector.shape_cast %reshape3A_278 : vector<16x1xi32> to vector<16xi32>
    %gather3A_280 = tpu.dynamic_gather %add3A_155[%gather3A_279] in [0] : vector<16xf32>, vector<16xi32> -> vector<16xf32>
    %reshape3A_281 = vector.shape_cast %get3A_277 : vector<16xi32> to vector<16x1xi32>
    %gather3A_282 = vector.shape_cast %reshape3A_281 : vector<16x1xi32> to vector<16xi32>
    %gather3A_283 = tpu.dynamic_gather %select_n3A_151[%gather3A_282] in [0] : vector<16xf32>, vector<16xi32> -> vector<16xf32>
    %add3A_284 = arith.addf %gather3A_280, %gather3A_283 : vector<16xf32>
    %swap3A_285 = arith.constant 144 : index
    %swap3A_286 = tpu.vector_load %arg10[%swap3A_285] {strides = array<i32>} : memref<1024xf32, #tpu.memory_space<vmem>>, vector<16xf32>,
    tpu.vector_store %arg10[%swap3A_285], %add3A_284 {strides = array<i32>} : memref<1024xf32, #tpu.memory_space<vmem>>, vector<16xf32>,
    %get3A_287 = arith.constant 160 : index
    %get3A_288 = tpu.vector_load %arg8[%get3A_287] {strides = array<i32>} : memref<1024xi32, #tpu.memory_space<vmem>>, vector<16xi32>,
    %get3A_289 = arith.constant 160 : index
    %get3A_290 = tpu.vector_load %arg9[%get3A_289] {strides = array<i32>} : memref<1024xi32, #tpu.memory_space<vmem>>, vector<16xi32>,
    %reshape3A_291 = vector.shape_cast %get3A_288 : vector<16xi32> to vector<16x1xi32>
    %gather3A_292 = vector.shape_cast %reshape3A_291 : vector<16x1xi32> to vector<16xi32>
    %gather3A_293 = tpu.dynamic_gather %add3A_155[%gather3A_292] in [0] : vector<16xf32>, vector<16xi32> -> vector<16xf32>
    %reshape3A_294 = vector.shape_cast %get3A_290 : vector<16xi32> to vector<16x1xi32>
    %gather3A_295 = vector.shape_cast %reshape3A_294 : vector<16x1xi32> to vector<16xi32>
    %gather3A_296 = tpu.dynamic_gather %select_n3A_151[%gather3A_295] in [0] : vector<16xf32>, vector<16xi32> -> vector<16xf32>
    %add3A_297 = arith.addf %gather3A_293, %gather3A_296 : vector<16xf32>
    %swap3A_298 = arith.constant 160 : index
    %swap3A_299 = tpu.vector_load %arg10[%swap3A_298] {strides = array<i32>} : memref<1024xf32, #tpu.memory_space<vmem>>, vector<16xf32>,
    tpu.vector_store %arg10[%swap3A_298], %add3A_297 {strides = array<i32>} : memref<1024xf32, #tpu.memory_space<vmem>>, vector<16xf32>,
    %get3A_300 = arith.constant 176 : index
    %get3A_301 = tpu.vector_load %arg8[%get3A_300] {strides = array<i32>} : memref<1024xi32, #tpu.memory_space<vmem>>, vector<16xi32>,
    %get3A_302 = arith.constant 176 : index
    %get3A_303 = tpu.vector_load %arg9[%get3A_302] {strides = array<i32>} : memref<1024xi32, #tpu.memory_space<vmem>>, vector<16xi32>,
    %reshape3A_304 = vector.shape_cast %get3A_301 : vector<16xi32> to vector<16x1xi32>
    %gather3A_305 = vector.shape_cast %reshape3A_304 : vector<16x1xi32> to vector<16xi32>
    %gather3A_306 = tpu.dynamic_gather %add3A_155[%gather3A_305] in [0] : vector<16xf32>, vector<16xi32> -> vector<16xf32>
    %reshape3A_307 = vector.shape_cast %get3A_303 : vector<16xi32> to vector<16x1xi32>
    %gather3A_308 = vector.shape_cast %reshape3A_307 : vector<16x1xi32> to vector<16xi32>
    %gather3A_309 = tpu.dynamic_gather %select_n3A_151[%gather3A_308] in [0] : vector<16xf32>, vector<16xi32> -> vector<16xf32>
    %add3A_310 = arith.addf %gather3A_306, %gather3A_309 : vector<16xf32>
    %swap3A_311 = arith.constant 176 : index
    %swap3A_312 = tpu.vector_load %arg10[%swap3A_311] {strides = array<i32>} : memref<1024xf32, #tpu.memory_space<vmem>>, vector<16xf32>,
    tpu.vector_store %arg10[%swap3A_311], %add3A_310 {strides = array<i32>} : memref<1024xf32, #tpu.memory_space<vmem>>, vector<16xf32>,
    %get3A_313 = arith.constant 192 : index
    %get3A_314 = tpu.vector_load %arg8[%get3A_313] {strides = array<i32>} : memref<1024xi32, #tpu.memory_space<vmem>>, vector<16xi32>,
    %get3A_315 = arith.constant 192 : index
    %get3A_316 = tpu.vector_load %arg9[%get3A_315] {strides = array<i32>} : memref<1024xi32, #tpu.memory_space<vmem>>, vector<16xi32>,
    %reshape3A_317 = vector.shape_cast %get3A_314 : vector<16xi32> to vector<16x1xi32>
    %gather3A_318 = vector.shape_cast %reshape3A_317 : vector<16x1xi32> to vector<16xi32>
    %gather3A_319 = tpu.dynamic_gather %add3A_155[%gather3A_318] in [0] : vector<16xf32>, vector<16xi32> -> vector<16xf32>
    %reshape3A_320 = vector.shape_cast %get3A_316 : vector<16xi32> to vector<16x1xi32>
    %gather3A_321 = vector.shape_cast %reshape3A_320 : vector<16x1xi32> to vector<16xi32>
    %gather3A_322 = tpu.dynamic_gather %select_n3A_151[%gather3A_321] in [0] : vector<16xf32>, vector<16xi32> -> vector<16xf32>
    %add3A_323 = arith.addf %gather3A_319, %gather3A_322 : vector<16xf32>
    %swap3A_324 = arith.constant 192 : index
    %swap3A_325 = tpu.vector_load %arg10[%swap3A_324] {strides = array<i32>} : memref<1024xf32, #tpu.memory_space<vmem>>, vector<16xf32>,
    tpu.vector_store %arg10[%swap3A_324], %add3A_323 {strides = array<i32>} : memref<1024xf32, #tpu.memory_space<vmem>>, vector<16xf32>,
    %get3A_326 = arith.constant 208 : index
    %get3A_327 = tpu.vector_load %arg8[%get3A_326] {strides = array<i32>} : memref<1024xi32, #tpu.memory_space<vmem>>, vector<16xi32>,
    %get3A_328 = arith.constant 208 : index
    %get3A_329 = tpu.vector_load %arg9[%get3A_328] {strides = array<i32>} : memref<1024xi32, #tpu.memory_space<vmem>>, vector<16xi32>,
    %reshape3A_330 = vector.shape_cast %get3A_327 : vector<16xi32> to vector<16x1xi32>
    %gather3A_331 = vector.shape_cast %reshape3A_330 : vector<16x1xi32> to vector<16xi32>
    %gather3A_332 = tpu.dynamic_gather %add3A_155[%gather3A_331] in [0] : vector<16xf32>, vector<16xi32> -> vector<16xf32>
    %reshape3A_333 = vector.shape_cast %get3A_329 : vector<16xi32> to vector<16x1xi32>
    %gather3A_334 = vector.shape_cast %reshape3A_333 : vector<16x1xi32> to vector<16xi32>
    %gather3A_335 = tpu.dynamic_gather %select_n3A_151[%gather3A_334] in [0] : vector<16xf32>, vector<16xi32> -> vector<16xf32>
    %add3A_336 = arith.addf %gather3A_332, %gather3A_335 : vector<16xf32>
    %swap3A_337 = arith.constant 208 : index
    %swap3A_338 = tpu.vector_load %arg10[%swap3A_337] {strides = array<i32>} : memref<1024xf32, #tpu.memory_space<vmem>>, vector<16xf32>,
    tpu.vector_store %arg10[%swap3A_337], %add3A_336 {strides = array<i32>} : memref<1024xf32, #tpu.memory_space<vmem>>, vector<16xf32>,
    %get3A_339 = arith.constant 224 : index
    %get3A_340 = tpu.vector_load %arg8[%get3A_339] {strides = array<i32>} : memref<1024xi32, #tpu.memory_space<vmem>>, vector<16xi32>,
    %get3A_341 = arith.constant 224 : index
    %get3A_342 = tpu.vector_load %arg9[%get3A_341] {strides = array<i32>} : memref<1024xi32, #tpu.memory_space<vmem>>, vector<16xi32>,
    %reshape3A_343 = vector.shape_cast %get3A_340 : vector<16xi32> to vector<16x1xi32>
    %gather3A_344 = vector.shape_cast %reshape3A_343 : vector<16x1xi32> to vector<16xi32>
    %gather3A_345 = tpu.dynamic_gather %add3A_155[%gather3A_344] in [0] : vector<16xf32>, vector<16xi32> -> vector<16xf32>
    %reshape3A_346 = vector.shape_cast %get3A_342 : vector<16xi32> to vector<16x1xi32>
    %gather3A_347 = vector.shape_cast %reshape3A_346 : vector<16x1xi32> to vector<16xi32>
    %gather3A_348 = tpu.dynamic_gather %select_n3A_151[%gather3A_347] in [0] : vector<16xf32>, vector<16xi32> -> vector<16xf32>
    %add3A_349 = arith.addf %gather3A_345, %gather3A_348 : vector<16xf32>
    %swap3A_350 = arith.constant 224 : index
    %swap3A_351 = tpu.vector_load %arg10[%swap3A_350] {strides = array<i32>} : memref<1024xf32, #tpu.memory_space<vmem>>, vector<16xf32>,
    tpu.vector_store %arg10[%swap3A_350], %add3A_349 {strides = array<i32>} : memref<1024xf32, #tpu.memory_space<vmem>>, vector<16xf32>,
    %get3A_352 = arith.constant 240 : index
    %get3A_353 = tpu.vector_load %arg8[%get3A_352] {strides = array<i32>} : memref<1024xi32, #tpu.memory_space<vmem>>, vector<16xi32>,
    %get3A_354 = arith.constant 240 : index
    %get3A_355 = tpu.vector_load %arg9[%get3A_354] {strides = array<i32>} : memref<1024xi32, #tpu.memory_space<vmem>>, vector<16xi32>,
    %reshape3A_356 = vector.shape_cast %get3A_353 : vector<16xi32> to vector<16x1xi32>
    %gather3A_357 = vector.shape_cast %reshape3A_356 : vector<16x1xi32> to vector<16xi32>
    %gather3A_358 = tpu.dynamic_gather %add3A_155[%gather3A_357] in [0] : vector<16xf32>, vector<16xi32> -> vector<16xf32>
    %reshape3A_359 = vector.shape_cast %get3A_355 : vector<16xi32> to vector<16x1xi32>
    %gather3A_360 = vector.shape_cast %reshape3A_359 : vector<16x1xi32> to vector<16xi32>
    %gather3A_361 = tpu.dynamic_gather %select_n3A_151[%gather3A_360] in [0] : vector<16xf32>, vector<16xi32> -> vector<16xf32>
    %add3A_362 = arith.addf %gather3A_358, %gather3A_361 : vector<16xf32>
    %swap3A_363 = arith.constant 240 : index
    %swap3A_364 = tpu.vector_load %arg10[%swap3A_363] {strides = array<i32>} : memref<1024xf32, #tpu.memory_space<vmem>>, vector<16xf32>,
    tpu.vector_store %arg10[%swap3A_363], %add3A_362 {strides = array<i32>} : memref<1024xf32, #tpu.memory_space<vmem>>, vector<16xf32>,
    %get3A_365 = arith.constant 256 : index
    %get3A_366 = tpu.vector_load %arg8[%get3A_365] {strides = array<i32>} : memref<1024xi32, #tpu.memory_space<vmem>>, vector<16xi32>,
    %get3A_367 = arith.constant 256 : index
    %get3A_368 = tpu.vector_load %arg9[%get3A_367] {strides = array<i32>} : memref<1024xi32, #tpu.memory_space<vmem>>, vector<16xi32>,
    %reshape3A_369 = vector.shape_cast %get3A_366 : vector<16xi32> to vector<16x1xi32>
    %gather3A_370 = vector.shape_cast %reshape3A_369 : vector<16x1xi32> to vector<16xi32>
    %gather3A_371 = tpu.dynamic_gather %add3A_155[%gather3A_370] in [0] : vector<16xf32>, vector<16xi32> -> vector<16xf32>
    %reshape3A_372 = vector.shape_cast %get3A_368 : vector<16xi32> to vector<16x1xi32>
    %gather3A_373 = vector.shape_cast %reshape3A_372 : vector<16x1xi32> to vector<16xi32>
    %gather3A_374 = tpu.dynamic_gather %select_n3A_151[%gather3A_373] in [0] : vector<16xf32>, vector<16xi32> -> vector<16xf32>
    %add3A_375 = arith.addf %gather3A_371, %gather3A_374 : vector<16xf32>
    %swap3A_376 = arith.constant 256 : index
    %swap3A_377 = tpu.vector_load %arg10[%swap3A_376] {strides = array<i32>} : memref<1024xf32, #tpu.memory_space<vmem>>, vector<16xf32>,
    tpu.vector_store %arg10[%swap3A_376], %add3A_375 {strides = array<i32>} : memref<1024xf32, #tpu.memory_space<vmem>>, vector<16xf32>,
    %get3A_378 = arith.constant 272 : index
    %get3A_379 = tpu.vector_load %arg8[%get3A_378] {strides = array<i32>} : memref<1024xi32, #tpu.memory_space<vmem>>, vector<16xi32>,
    %get3A_380 = arith.constant 272 : index
    %get3A_381 = tpu.vector_load %arg9[%get3A_380] {strides = array<i32>} : memref<1024xi32, #tpu.memory_space<vmem>>, vector<16xi32>,
    %reshape3A_382 = vector.shape_cast %get3A_379 : vector<16xi32> to vector<16x1xi32>
    %gather3A_383 = vector.shape_cast %reshape3A_382 : vector<16x1xi32> to vector<16xi32>
    %gather3A_384 = tpu.dynamic_gather %add3A_155[%gather3A_383] in [0] : vector<16xf32>, vector<16xi32> -> vector<16xf32>
    %reshape3A_385 = vector.shape_cast %get3A_381 : vector<16xi32> to vector<16x1xi32>
    %gather3A_386 = vector.shape_cast %reshape3A_385 : vector<16x1xi32> to vector<16xi32>
    %gather3A_387 = tpu.dynamic_gather %select_n3A_151[%gather3A_386] in [0] : vector<16xf32>, vector<16xi32> -> vector<16xf32>
    %add3A_388 = arith.addf %gather3A_384, %gather3A_387 : vector<16xf32>
    %swap3A_389 = arith.constant 272 : index
    %swap3A_390 = tpu.vector_load %arg10[%swap3A_389] {strides = array<i32>} : memref<1024xf32, #tpu.memory_space<vmem>>, vector<16xf32>,
    tpu.vector_store %arg10[%swap3A_389], %add3A_388 {strides = array<i32>} : memref<1024xf32, #tpu.memory_space<vmem>>, vector<16xf32>,
    %get3A_391 = arith.constant 288 : index
    %get3A_392 = tpu.vector_load %arg8[%get3A_391] {strides = array<i32>} : memref<1024xi32, #tpu.memory_space<vmem>>, vector<16xi32>,
    %get3A_393 = arith.constant 288 : index
    %get3A_394 = tpu.vector_load %arg9[%get3A_393] {strides = array<i32>} : memref<1024xi32, #tpu.memory_space<vmem>>, vector<16xi32>,
    %reshape3A_395 = vector.shape_cast %get3A_392 : vector<16xi32> to vector<16x1xi32>
    %gather3A_396 = vector.shape_cast %reshape3A_395 : vector<16x1xi32> to vector<16xi32>
    %gather3A_397 = tpu.dynamic_gather %add3A_155[%gather3A_396] in [0] : vector<16xf32>, vector<16xi32> -> vector<16xf32>
    %reshape3A_398 = vector.shape_cast %get3A_394 : vector<16xi32> to vector<16x1xi32>
    %gather3A_399 = vector.shape_cast %reshape3A_398 : vector<16x1xi32> to vector<16xi32>
    %gather3A_400 = tpu.dynamic_gather %select_n3A_151[%gather3A_399] in [0] : vector<16xf32>, vector<16xi32> -> vector<16xf32>
    %add3A_401 = arith.addf %gather3A_397, %gather3A_400 : vector<16xf32>
    %swap3A_402 = arith.constant 288 : index
    %swap3A_403 = tpu.vector_load %arg10[%swap3A_402] {strides = array<i32>} : memref<1024xf32, #tpu.memory_space<vmem>>, vector<16xf32>,
    tpu.vector_store %arg10[%swap3A_402], %add3A_401 {strides = array<i32>} : memref<1024xf32, #tpu.memory_space<vmem>>, vector<16xf32>,
    %get3A_404 = arith.constant 304 : index
    %get3A_405 = tpu.vector_load %arg8[%get3A_404] {strides = array<i32>} : memref<1024xi32, #tpu.memory_space<vmem>>, vector<16xi32>,
    %get3A_406 = arith.constant 304 : index
    %get3A_407 = tpu.vector_load %arg9[%get3A_406] {strides = array<i32>} : memref<1024xi32, #tpu.memory_space<vmem>>, vector<16xi32>,
    %reshape3A_408 = vector.shape_cast %get3A_405 : vector<16xi32> to vector<16x1xi32>
    %gather3A_409 = vector.shape_cast %reshape3A_408 : vector<16x1xi32> to vector<16xi32>
    %gather3A_410 = tpu.dynamic_gather %add3A_155[%gather3A_409] in [0] : vector<16xf32>, vector<16xi32> -> vector<16xf32>
    %reshape3A_411 = vector.shape_cast %get3A_407 : vector<16xi32> to vector<16x1xi32>
    %gather3A_412 = vector.shape_cast %reshape3A_411 : vector<16x1xi32> to vector<16xi32>
    %gather3A_413 = tpu.dynamic_gather %select_n3A_151[%gather3A_412] in [0] : vector<16xf32>, vector<16xi32> -> vector<16xf32>
    %add3A_414 = arith.addf %gather3A_410, %gather3A_413 : vector<16xf32>
    %swap3A_415 = arith.constant 304 : index
    %swap3A_416 = tpu.vector_load %arg10[%swap3A_415] {strides = array<i32>} : memref<1024xf32, #tpu.memory_space<vmem>>, vector<16xf32>,
    tpu.vector_store %arg10[%swap3A_415], %add3A_414 {strides = array<i32>} : memref<1024xf32, #tpu.memory_space<vmem>>, vector<16xf32>,
    %get3A_417 = arith.constant 320 : index
    %get3A_418 = tpu.vector_load %arg8[%get3A_417] {strides = array<i32>} : memref<1024xi32, #tpu.memory_space<vmem>>, vector<16xi32>,
    %get3A_419 = arith.constant 320 : index
    %get3A_420 = tpu.vector_load %arg9[%get3A_419] {strides = array<i32>} : memref<1024xi32, #tpu.memory_space<vmem>>, vector<16xi32>,
    %reshape3A_421 = vector.shape_cast %get3A_418 : vector<16xi32> to vector<16x1xi32>
    %gather3A_422 = vector.shape_cast %reshape3A_421 : vector<16x1xi32> to vector<16xi32>
    %gather3A_423 = tpu.dynamic_gather %add3A_155[%gather3A_422] in [0] : vector<16xf32>, vector<16xi32> -> vector<16xf32>
    %reshape3A_424 = vector.shape_cast %get3A_420 : vector<16xi32> to vector<16x1xi32>
    %gather3A_425 = vector.shape_cast %reshape3A_424 : vector<16x1xi32> to vector<16xi32>
    %gather3A_426 = tpu.dynamic_gather %select_n3A_151[%gather3A_425] in [0] : vector<16xf32>, vector<16xi32> -> vector<16xf32>
    %add3A_427 = arith.addf %gather3A_423, %gather3A_426 : vector<16xf32>
    %swap3A_428 = arith.constant 320 : index
    %swap3A_429 = tpu.vector_load %arg10[%swap3A_428] {strides = array<i32>} : memref<1024xf32, #tpu.memory_space<vmem>>, vector<16xf32>,
    tpu.vector_store %arg10[%swap3A_428], %add3A_427 {strides = array<i32>} : memref<1024xf32, #tpu.memory_space<vmem>>, vector<16xf32>,
    %get3A_430 = arith.constant 336 : index
    %get3A_431 = tpu.vector_load %arg8[%get3A_430] {strides = array<i32>} : memref<1024xi32, #tpu.memory_space<vmem>>, vector<16xi32>,
    %get3A_432 = arith.constant 336 : index
    %get3A_433 = tpu.vector_load %arg9[%get3A_432] {strides = array<i32>} : memref<1024xi32, #tpu.memory_space<vmem>>, vector<16xi32>,
    %reshape3A_434 = vector.shape_cast %get3A_431 : vector<16xi32> to vector<16x1xi32>
    %gather3A_435 = vector.shape_cast %reshape3A_434 : vector<16x1xi32> to vector<16xi32>
    %gather3A_436 = tpu.dynamic_gather %add3A_155[%gather3A_435] in [0] : vector<16xf32>, vector<16xi32> -> vector<16xf32>
    %reshape3A_437 = vector.shape_cast %get3A_433 : vector<16xi32> to vector<16x1xi32>
    %gather3A_438 = vector.shape_cast %reshape3A_437 : vector<16x1xi32> to vector<16xi32>
    %gather3A_439 = tpu.dynamic_gather %select_n3A_151[%gather3A_438] in [0] : vector<16xf32>, vector<16xi32> -> vector<16xf32>
    %add3A_440 = arith.addf %gather3A_436, %gather3A_439 : vector<16xf32>
    %swap3A_441 = arith.constant 336 : index
    %swap3A_442 = tpu.vector_load %arg10[%swap3A_441] {strides = array<i32>} : memref<1024xf32, #tpu.memory_space<vmem>>, vector<16xf32>,
    tpu.vector_store %arg10[%swap3A_441], %add3A_440 {strides = array<i32>} : memref<1024xf32, #tpu.memory_space<vmem>>, vector<16xf32>,
    %get3A_443 = arith.constant 352 : index
    %get3A_444 = tpu.vector_load %arg8[%get3A_443] {strides = array<i32>} : memref<1024xi32, #tpu.memory_space<vmem>>, vector<16xi32>,
    %get3A_445 = arith.constant 352 : index
    %get3A_446 = tpu.vector_load %arg9[%get3A_445] {strides = array<i32>} : memref<1024xi32, #tpu.memory_space<vmem>>, vector<16xi32>,
    %reshape3A_447 = vector.shape_cast %get3A_444 : vector<16xi32> to vector<16x1xi32>
    %gather3A_448 = vector.shape_cast %reshape3A_447 : vector<16x1xi32> to vector<16xi32>
    %gather3A_449 = tpu.dynamic_gather %add3A_155[%gather3A_448] in [0] : vector<16xf32>, vector<16xi32> -> vector<16xf32>
    %reshape3A_450 = vector.shape_cast %get3A_446 : vector<16xi32> to vector<16x1xi32>
    %gather3A_451 = vector.shape_cast %reshape3A_450 : vector<16x1xi32> to vector<16xi32>
    %gather3A_452 = tpu.dynamic_gather %select_n3A_151[%gather3A_451] in [0] : vector<16xf32>, vector<16xi32> -> vector<16xf32>
    %add3A_453 = arith.addf %gather3A_449, %gather3A_452 : vector<16xf32>
    %swap3A_454 = arith.constant 352 : index
    %swap3A_455 = tpu.vector_load %arg10[%swap3A_454] {strides = array<i32>} : memref<1024xf32, #tpu.memory_space<vmem>>, vector<16xf32>,
    tpu.vector_store %arg10[%swap3A_454], %add3A_453 {strides = array<i32>} : memref<1024xf32, #tpu.memory_space<vmem>>, vector<16xf32>,
    %get3A_456 = arith.constant 368 : index
    %get3A_457 = tpu.vector_load %arg8[%get3A_456] {strides = array<i32>} : memref<1024xi32, #tpu.memory_space<vmem>>, vector<16xi32>,
    %get3A_458 = arith.constant 368 : index
    %get3A_459 = tpu.vector_load %arg9[%get3A_458] {strides = array<i32>} : memref<1024xi32, #tpu.memory_space<vmem>>, vector<16xi32>,
    %reshape3A_460 = vector.shape_cast %get3A_457 : vector<16xi32> to vector<16x1xi32>
    %gather3A_461 = vector.shape_cast %reshape3A_460 : vector<16x1xi32> to vector<16xi32>
    %gather3A_462 = tpu.dynamic_gather %add3A_155[%gather3A_461] in [0] : vector<16xf32>, vector<16xi32> -> vector<16xf32>
    %reshape3A_463 = vector.shape_cast %get3A_459 : vector<16xi32> to vector<16x1xi32>
    %gather3A_464 = vector.shape_cast %reshape3A_463 : vector<16x1xi32> to vector<16xi32>
    %gather3A_465 = tpu.dynamic_gather %select_n3A_151[%gather3A_464] in [0] : vector<16xf32>, vector<16xi32> -> vector<16xf32>
    %add3A_466 = arith.addf %gather3A_462, %gather3A_465 : vector<16xf32>
    %swap3A_467 = arith.constant 368 : index
    %swap3A_468 = tpu.vector_load %arg10[%swap3A_467] {strides = array<i32>} : memref<1024xf32, #tpu.memory_space<vmem>>, vector<16xf32>,
    tpu.vector_store %arg10[%swap3A_467], %add3A_466 {strides = array<i32>} : memref<1024xf32, #tpu.memory_space<vmem>>, vector<16xf32>,
    %get3A_469 = arith.constant 384 : index
    %get3A_470 = tpu.vector_load %arg8[%get3A_469] {strides = array<i32>} : memref<1024xi32, #tpu.memory_space<vmem>>, vector<16xi32>,
    %get3A_471 = arith.constant 384 : index
    %get3A_472 = tpu.vector_load %arg9[%get3A_471] {strides = array<i32>} : memref<1024xi32, #tpu.memory_space<vmem>>, vector<16xi32>,
    %reshape3A_473 = vector.shape_cast %get3A_470 : vector<16xi32> to vector<16x1xi32>
    %gather3A_474 = vector.shape_cast %reshape3A_473 : vector<16x1xi32> to vector<16xi32>
    %gather3A_475 = tpu.dynamic_gather %add3A_155[%gather3A_474] in [0] : vector<16xf32>, vector<16xi32> -> vector<16xf32>
    %reshape3A_476 = vector.shape_cast %get3A_472 : vector<16xi32> to vector<16x1xi32>
    %gather3A_477 = vector.shape_cast %reshape3A_476 : vector<16x1xi32> to vector<16xi32>
    %gather3A_478 = tpu.dynamic_gather %select_n3A_151[%gather3A_477] in [0] : vector<16xf32>, vector<16xi32> -> vector<16xf32>
    %add3A_479 = arith.addf %gather3A_475, %gather3A_478 : vector<16xf32>
    %swap3A_480 = arith.constant 384 : index
    %swap3A_481 = tpu.vector_load %arg10[%swap3A_480] {strides = array<i32>} : memref<1024xf32, #tpu.memory_space<vmem>>, vector<16xf32>,
    tpu.vector_store %arg10[%swap3A_480], %add3A_479 {strides = array<i32>} : memref<1024xf32, #tpu.memory_space<vmem>>, vector<16xf32>,
    %get3A_482 = arith.constant 400 : index
    %get3A_483 = tpu.vector_load %arg8[%get3A_482] {strides = array<i32>} : memref<1024xi32, #tpu.memory_space<vmem>>, vector<16xi32>,
    %get3A_484 = arith.constant 400 : index
    %get3A_485 = tpu.vector_load %arg9[%get3A_484] {strides = array<i32>} : memref<1024xi32, #tpu.memory_space<vmem>>, vector<16xi32>,
    %reshape3A_486 = vector.shape_cast %get3A_483 : vector<16xi32> to vector<16x1xi32>
    %gather3A_487 = vector.shape_cast %reshape3A_486 : vector<16x1xi32> to vector<16xi32>
    %gather3A_488 = tpu.dynamic_gather %add3A_155[%gather3A_487] in [0] : vector<16xf32>, vector<16xi32> -> vector<16xf32>
    %reshape3A_489 = vector.shape_cast %get3A_485 : vector<16xi32> to vector<16x1xi32>
    %gather3A_490 = vector.shape_cast %reshape3A_489 : vector<16x1xi32> to vector<16xi32>
    %gather3A_491 = tpu.dynamic_gather %select_n3A_151[%gather3A_490] in [0] : vector<16xf32>, vector<16xi32> -> vector<16xf32>
    %add3A_492 = arith.addf %gather3A_488, %gather3A_491 : vector<16xf32>
    %swap3A_493 = arith.constant 400 : index
    %swap3A_494 = tpu.vector_load %arg10[%swap3A_493] {strides = array<i32>} : memref<1024xf32, #tpu.memory_space<vmem>>, vector<16xf32>,
    tpu.vector_store %arg10[%swap3A_493], %add3A_492 {strides = array<i32>} : memref<1024xf32, #tpu.memory_space<vmem>>, vector<16xf32>,
    %get3A_495 = arith.constant 416 : index
    %get3A_496 = tpu.vector_load %arg8[%get3A_495] {strides = array<i32>} : memref<1024xi32, #tpu.memory_space<vmem>>, vector<16xi32>,
    %get3A_497 = arith.constant 416 : index
    %get3A_498 = tpu.vector_load %arg9[%get3A_497] {strides = array<i32>} : memref<1024xi32, #tpu.memory_space<vmem>>, vector<16xi32>,
    %reshape3A_499 = vector.shape_cast %get3A_496 : vector<16xi32> to vector<16x1xi32>
    %gather3A_500 = vector.shape_cast %reshape3A_499 : vector<16x1xi32> to vector<16xi32>
    %gather3A_501 = tpu.dynamic_gather %add3A_155[%gather3A_500] in [0] : vector<16xf32>, vector<16xi32> -> vector<16xf32>
    %reshape3A_502 = vector.shape_cast %get3A_498 : vector<16xi32> to vector<16x1xi32>
    %gather3A_503 = vector.shape_cast %reshape3A_502 : vector<16x1xi32> to vector<16xi32>
    %gather3A_504 = tpu.dynamic_gather %select_n3A_151[%gather3A_503] in [0] : vector<16xf32>, vector<16xi32> -> vector<16xf32>
    %add3A_505 = arith.addf %gather3A_501, %gather3A_504 : vector<16xf32>
    %swap3A_506 = arith.constant 416 : index
    %swap3A_507 = tpu.vector_load %arg10[%swap3A_506] {strides = array<i32>} : memref<1024xf32, #tpu.memory_space<vmem>>, vector<16xf32>,
    tpu.vector_store %arg10[%swap3A_506], %add3A_505 {strides = array<i32>} : memref<1024xf32, #tpu.memory_space<vmem>>, vector<16xf32>,
    %get3A_508 = arith.constant 432 : index
    %get3A_509 = tpu.vector_load %arg8[%get3A_508] {strides = array<i32>} : memref<1024xi32, #tpu.memory_space<vmem>>, vector<16xi32>,
    %get3A_510 = arith.constant 432 : index
    %get3A_511 = tpu.vector_load %arg9[%get3A_510] {strides = array<i32>} : memref<1024xi32, #tpu.memory_space<vmem>>, vector<16xi32>,
    %reshape3A_512 = vector.shape_cast %get3A_509 : vector<16xi32> to vector<16x1xi32>
    %gather3A_513 = vector.shape_cast %reshape3A_512 : vector<16x1xi32> to vector<16xi32>
    %gather3A_514 = tpu.dynamic_gather %add3A_155[%gather3A_513] in [0] : vector<16xf32>, vector<16xi32> -> vector<16xf32>
    %reshape3A_515 = vector.shape_cast %get3A_511 : vector<16xi32> to vector<16x1xi32>
    %gather3A_516 = vector.shape_cast %reshape3A_515 : vector<16x1xi32> to vector<16xi32>
    %gather3A_517 = tpu.dynamic_gather %select_n3A_151[%gather3A_516] in [0] : vector<16xf32>, vector<16xi32> -> vector<16xf32>
    %add3A_518 = arith.addf %gather3A_514, %gather3A_517 : vector<16xf32>
    %swap3A_519 = arith.constant 432 : index
    %swap3A_520 = tpu.vector_load %arg10[%swap3A_519] {strides = array<i32>} : memref<1024xf32, #tpu.memory_space<vmem>>, vector<16xf32>,
    tpu.vector_store %arg10[%swap3A_519], %add3A_518 {strides = array<i32>} : memref<1024xf32, #tpu.memory_space<vmem>>, vector<16xf32>,
    %get3A_521 = arith.constant 448 : index
    %get3A_522 = tpu.vector_load %arg8[%get3A_521] {strides = array<i32>} : memref<1024xi32, #tpu.memory_space<vmem>>, vector<16xi32>,
    %get3A_523 = arith.constant 448 : index
    %get3A_524 = tpu.vector_load %arg9[%get3A_523] {strides = array<i32>} : memref<1024xi32, #tpu.memory_space<vmem>>, vector<16xi32>,
    %reshape3A_525 = vector.shape_cast %get3A_522 : vector<16xi32> to vector<16x1xi32>
    %gather3A_526 = vector.shape_cast %reshape3A_525 : vector<16x1xi32> to vector<16xi32>
    %gather3A_527 = tpu.dynamic_gather %add3A_155[%gather3A_526] in [0] : vector<16xf32>, vector<16xi32> -> vector<16xf32>
    %reshape3A_528 = vector.shape_cast %get3A_524 : vector<16xi32> to vector<16x1xi32>
    %gather3A_529 = vector.shape_cast %reshape3A_528 : vector<16x1xi32> to vector<16xi32>
    %gather3A_530 = tpu.dynamic_gather %select_n3A_151[%gather3A_529] in [0] : vector<16xf32>, vector<16xi32> -> vector<16xf32>
    %add3A_531 = arith.addf %gather3A_527, %gather3A_530 : vector<16xf32>
    %swap3A_532 = arith.constant 448 : index
    %swap3A_533 = tpu.vector_load %arg10[%swap3A_532] {strides = array<i32>} : memref<1024xf32, #tpu.memory_space<vmem>>, vector<16xf32>,
    tpu.vector_store %arg10[%swap3A_532], %add3A_531 {strides = array<i32>} : memref<1024xf32, #tpu.memory_space<vmem>>, vector<16xf32>,
    %get3A_534 = arith.constant 464 : index
    %get3A_535 = tpu.vector_load %arg8[%get3A_534] {strides = array<i32>} : memref<1024xi32, #tpu.memory_space<vmem>>, vector<16xi32>,
    %get3A_536 = arith.constant 464 : index
    %get3A_537 = tpu.vector_load %arg9[%get3A_536] {strides = array<i32>} : memref<1024xi32, #tpu.memory_space<vmem>>, vector<16xi32>,
    %reshape3A_538 = vector.shape_cast %get3A_535 : vector<16xi32> to vector<16x1xi32>
    %gather3A_539 = vector.shape_cast %reshape3A_538 : vector<16x1xi32> to vector<16xi32>
    %gather3A_540 = tpu.dynamic_gather %add3A_155[%gather3A_539] in [0] : vector<16xf32>, vector<16xi32> -> vector<16xf32>
    %reshape3A_541 = vector.shape_cast %get3A_537 : vector<16xi32> to vector<16x1xi32>
    %gather3A_542 = vector.shape_cast %reshape3A_541 : vector<16x1xi32> to vector<16xi32>
    %gather3A_543 = tpu.dynamic_gather %select_n3A_151[%gather3A_542] in [0] : vector<16xf32>, vector<16xi32> -> vector<16xf32>
    %add3A_544 = arith.addf %gather3A_540, %gather3A_543 : vector<16xf32>
    %swap3A_545 = arith.constant 464 : index
    %swap3A_546 = tpu.vector_load %arg10[%swap3A_545] {strides = array<i32>} : memref<1024xf32, #tpu.memory_space<vmem>>, vector<16xf32>,
    tpu.vector_store %arg10[%swap3A_545], %add3A_544 {strides = array<i32>} : memref<1024xf32, #tpu.memory_space<vmem>>, vector<16xf32>,
    %get3A_547 = arith.constant 480 : index
    %get3A_548 = tpu.vector_load %arg8[%get3A_547] {strides = array<i32>} : memref<1024xi32, #tpu.memory_space<vmem>>, vector<16xi32>,
    %get3A_549 = arith.constant 480 : index
    %get3A_550 = tpu.vector_load %arg9[%get3A_549] {strides = array<i32>} : memref<1024xi32, #tpu.memory_space<vmem>>, vector<16xi32>,
    %reshape3A_551 = vector.shape_cast %get3A_548 : vector<16xi32> to vector<16x1xi32>
    %gather3A_552 = vector.shape_cast %reshape3A_551 : vector<16x1xi32> to vector<16xi32>
    %gather3A_553 = tpu.dynamic_gather %add3A_155[%gather3A_552] in [0] : vector<16xf32>, vector<16xi32> -> vector<16xf32>
    %reshape3A_554 = vector.shape_cast %get3A_550 : vector<16xi32> to vector<16x1xi32>
    %gather3A_555 = vector.shape_cast %reshape3A_554 : vector<16x1xi32> to vector<16xi32>
    %gather3A_556 = tpu.dynamic_gather %select_n3A_151[%gather3A_555] in [0] : vector<16xf32>, vector<16xi32> -> vector<16xf32>
    %add3A_557 = arith.addf %gather3A_553, %gather3A_556 : vector<16xf32>
    %swap3A_558 = arith.constant 480 : index
    %swap3A_559 = tpu.vector_load %arg10[%swap3A_558] {strides = array<i32>} : memref<1024xf32, #tpu.memory_space<vmem>>, vector<16xf32>,
    tpu.vector_store %arg10[%swap3A_558], %add3A_557 {strides = array<i32>} : memref<1024xf32, #tpu.memory_space<vmem>>, vector<16xf32>,
    %get3A_560 = arith.constant 496 : index
    %get3A_561 = tpu.vector_load %arg8[%get3A_560] {strides = array<i32>} : memref<1024xi32, #tpu.memory_space<vmem>>, vector<16xi32>,
    %get3A_562 = arith.constant 496 : index
    %get3A_563 = tpu.vector_load %arg9[%get3A_562] {strides = array<i32>} : memref<1024xi32, #tpu.memory_space<vmem>>, vector<16xi32>,
    %reshape3A_564 = vector.shape_cast %get3A_561 : vector<16xi32> to vector<16x1xi32>
    %gather3A_565 = vector.shape_cast %reshape3A_564 : vector<16x1xi32> to vector<16xi32>
    %gather3A_566 = tpu.dynamic_gather %add3A_155[%gather3A_565] in [0] : vector<16xf32>, vector<16xi32> -> vector<16xf32>
    %reshape3A_567 = vector.shape_cast %get3A_563 : vector<16xi32> to vector<16x1xi32>
    %gather3A_568 = vector.shape_cast %reshape3A_567 : vector<16x1xi32> to vector<16xi32>
    %gather3A_569 = tpu.dynamic_gather %select_n3A_151[%gather3A_568] in [0] : vector<16xf32>, vector<16xi32> -> vector<16xf32>
    %add3A_570 = arith.addf %gather3A_566, %gather3A_569 : vector<16xf32>
    %swap3A_571 = arith.constant 496 : index
    %swap3A_572 = tpu.vector_load %arg10[%swap3A_571] {strides = array<i32>} : memref<1024xf32, #tpu.memory_space<vmem>>, vector<16xf32>,
    tpu.vector_store %arg10[%swap3A_571], %add3A_570 {strides = array<i32>} : memref<1024xf32, #tpu.memory_space<vmem>>, vector<16xf32>,
    %get3A_573 = arith.constant 512 : index
    %get3A_574 = tpu.vector_load %arg8[%get3A_573] {strides = array<i32>} : memref<1024xi32, #tpu.memory_space<vmem>>, vector<16xi32>,
    %get3A_575 = arith.constant 512 : index
    %get3A_576 = tpu.vector_load %arg9[%get3A_575] {strides = array<i32>} : memref<1024xi32, #tpu.memory_space<vmem>>, vector<16xi32>,
    %reshape3A_577 = vector.shape_cast %get3A_574 : vector<16xi32> to vector<16x1xi32>
    %gather3A_578 = vector.shape_cast %reshape3A_577 : vector<16x1xi32> to vector<16xi32>
    %gather3A_579 = tpu.dynamic_gather %add3A_155[%gather3A_578] in [0] : vector<16xf32>, vector<16xi32> -> vector<16xf32>
    %reshape3A_580 = vector.shape_cast %get3A_576 : vector<16xi32> to vector<16x1xi32>
    %gather3A_581 = vector.shape_cast %reshape3A_580 : vector<16x1xi32> to vector<16xi32>
    %gather3A_582 = tpu.dynamic_gather %select_n3A_151[%gather3A_581] in [0] : vector<16xf32>, vector<16xi32> -> vector<16xf32>
    %add3A_583 = arith.addf %gather3A_579, %gather3A_582 : vector<16xf32>
    %swap3A_584 = arith.constant 512 : index
    %swap3A_585 = tpu.vector_load %arg10[%swap3A_584] {strides = array<i32>} : memref<1024xf32, #tpu.memory_space<vmem>>, vector<16xf32>,
    tpu.vector_store %arg10[%swap3A_584], %add3A_583 {strides = array<i32>} : memref<1024xf32, #tpu.memory_space<vmem>>, vector<16xf32>,
    %get3A_586 = arith.constant 528 : index
    %get3A_587 = tpu.vector_load %arg8[%get3A_586] {strides = array<i32>} : memref<1024xi32, #tpu.memory_space<vmem>>, vector<16xi32>,
    %get3A_588 = arith.constant 528 : index
    %get3A_589 = tpu.vector_load %arg9[%get3A_588] {strides = array<i32>} : memref<1024xi32, #tpu.memory_space<vmem>>, vector<16xi32>,
    %reshape3A_590 = vector.shape_cast %get3A_587 : vector<16xi32> to vector<16x1xi32>
    %gather3A_591 = vector.shape_cast %reshape3A_590 : vector<16x1xi32> to vector<16xi32>
    %gather3A_592 = tpu.dynamic_gather %add3A_155[%gather3A_591] in [0] : vector<16xf32>, vector<16xi32> -> vector<16xf32>
    %reshape3A_593 = vector.shape_cast %get3A_589 : vector<16xi32> to vector<16x1xi32>
    %gather3A_594 = vector.shape_cast %reshape3A_593 : vector<16x1xi32> to vector<16xi32>
    %gather3A_595 = tpu.dynamic_gather %select_n3A_151[%gather3A_594] in [0] : vector<16xf32>, vector<16xi32> -> vector<16xf32>
    %add3A_596 = arith.addf %gather3A_592, %gather3A_595 : vector<16xf32>
    %swap3A_597 = arith.constant 528 : index
    %swap3A_598 = tpu.vector_load %arg10[%swap3A_597] {strides = array<i32>} : memref<1024xf32, #tpu.memory_space<vmem>>, vector<16xf32>,
    tpu.vector_store %arg10[%swap3A_597], %add3A_596 {strides = array<i32>} : memref<1024xf32, #tpu.memory_space<vmem>>, vector<16xf32>,
    %get3A_599 = arith.constant 544 : index
    %get3A_600 = tpu.vector_load %arg8[%get3A_599] {strides = array<i32>} : memref<1024xi32, #tpu.memory_space<vmem>>, vector<16xi32>,
    %get3A_601 = arith.constant 544 : index
    %get3A_602 = tpu.vector_load %arg9[%get3A_601] {strides = array<i32>} : memref<1024xi32, #tpu.memory_space<vmem>>, vector<16xi32>,
    %reshape3A_603 = vector.shape_cast %get3A_600 : vector<16xi32> to vector<16x1xi32>
    %gather3A_604 = vector.shape_cast %reshape3A_603 : vector<16x1xi32> to vector<16xi32>
    %gather3A_605 = tpu.dynamic_gather %add3A_155[%gather3A_604] in [0] : vector<16xf32>, vector<16xi32> -> vector<16xf32>
    %reshape3A_606 = vector.shape_cast %get3A_602 : vector<16xi32> to vector<16x1xi32>
    %gather3A_607 = vector.shape_cast %reshape3A_606 : vector<16x1xi32> to vector<16xi32>
    %gather3A_608 = tpu.dynamic_gather %select_n3A_151[%gather3A_607] in [0] : vector<16xf32>, vector<16xi32> -> vector<16xf32>
    %add3A_609 = arith.addf %gather3A_605, %gather3A_608 : vector<16xf32>
    %swap3A_610 = arith.constant 544 : index
    %swap3A_611 = tpu.vector_load %arg10[%swap3A_610] {strides = array<i32>} : memref<1024xf32, #tpu.memory_space<vmem>>, vector<16xf32>,
    tpu.vector_store %arg10[%swap3A_610], %add3A_609 {strides = array<i32>} : memref<1024xf32, #tpu.memory_space<vmem>>, vector<16xf32>,
    %get3A_612 = arith.constant 560 : index
    %get3A_613 = tpu.vector_load %arg8[%get3A_612] {strides = array<i32>} : memref<1024xi32, #tpu.memory_space<vmem>>, vector<16xi32>,
    %get3A_614 = arith.constant 560 : index
    %get3A_615 = tpu.vector_load %arg9[%get3A_614] {strides = array<i32>} : memref<1024xi32, #tpu.memory_space<vmem>>, vector<16xi32>,
    %reshape3A_616 = vector.shape_cast %get3A_613 : vector<16xi32> to vector<16x1xi32>
    %gather3A_617 = vector.shape_cast %reshape3A_616 : vector<16x1xi32> to vector<16xi32>
    %gather3A_618 = tpu.dynamic_gather %add3A_155[%gather3A_617] in [0] : vector<16xf32>, vector<16xi32> -> vector<16xf32>
    %reshape3A_619 = vector.shape_cast %get3A_615 : vector<16xi32> to vector<16x1xi32>
    %gather3A_620 = vector.shape_cast %reshape3A_619 : vector<16x1xi32> to vector<16xi32>
    %gather3A_621 = tpu.dynamic_gather %select_n3A_151[%gather3A_620] in [0] : vector<16xf32>, vector<16xi32> -> vector<16xf32>
    %add3A_622 = arith.addf %gather3A_618, %gather3A_621 : vector<16xf32>
    %swap3A_623 = arith.constant 560 : index
    %swap3A_624 = tpu.vector_load %arg10[%swap3A_623] {strides = array<i32>} : memref<1024xf32, #tpu.memory_space<vmem>>, vector<16xf32>,
    tpu.vector_store %arg10[%swap3A_623], %add3A_622 {strides = array<i32>} : memref<1024xf32, #tpu.memory_space<vmem>>, vector<16xf32>,
    %get3A_625 = arith.constant 576 : index
    %get3A_626 = tpu.vector_load %arg8[%get3A_625] {strides = array<i32>} : memref<1024xi32, #tpu.memory_space<vmem>>, vector<16xi32>,
    %get3A_627 = arith.constant 576 : index
    %get3A_628 = tpu.vector_load %arg9[%get3A_627] {strides = array<i32>} : memref<1024xi32, #tpu.memory_space<vmem>>, vector<16xi32>,
    %reshape3A_629 = vector.shape_cast %get3A_626 : vector<16xi32> to vector<16x1xi32>
    %gather3A_630 = vector.shape_cast %reshape3A_629 : vector<16x1xi32> to vector<16xi32>
    %gather3A_631 = tpu.dynamic_gather %add3A_155[%gather3A_630] in [0] : vector<16xf32>, vector<16xi32> -> vector<16xf32>
    %reshape3A_632 = vector.shape_cast %get3A_628 : vector<16xi32> to vector<16x1xi32>
    %gather3A_633 = vector.shape_cast %reshape3A_632 : vector<16x1xi32> to vector<16xi32>
    %gather3A_634 = tpu.dynamic_gather %select_n3A_151[%gather3A_633] in [0] : vector<16xf32>, vector<16xi32> -> vector<16xf32>
    %add3A_635 = arith.addf %gather3A_631, %gather3A_634 : vector<16xf32>
    %swap3A_636 = arith.constant 576 : index
    %swap3A_637 = tpu.vector_load %arg10[%swap3A_636] {strides = array<i32>} : memref<1024xf32, #tpu.memory_space<vmem>>, vector<16xf32>,
    tpu.vector_store %arg10[%swap3A_636], %add3A_635 {strides = array<i32>} : memref<1024xf32, #tpu.memory_space<vmem>>, vector<16xf32>,
    %get3A_638 = arith.constant 592 : index
    %get3A_639 = tpu.vector_load %arg8[%get3A_638] {strides = array<i32>} : memref<1024xi32, #tpu.memory_space<vmem>>, vector<16xi32>,
    %get3A_640 = arith.constant 592 : index
    %get3A_641 = tpu.vector_load %arg9[%get3A_640] {strides = array<i32>} : memref<1024xi32, #tpu.memory_space<vmem>>, vector<16xi32>,
    %reshape3A_642 = vector.shape_cast %get3A_639 : vector<16xi32> to vector<16x1xi32>
    %gather3A_643 = vector.shape_cast %reshape3A_642 : vector<16x1xi32> to vector<16xi32>
    %gather3A_644 = tpu.dynamic_gather %add3A_155[%gather3A_643] in [0] : vector<16xf32>, vector<16xi32> -> vector<16xf32>
    %reshape3A_645 = vector.shape_cast %get3A_641 : vector<16xi32> to vector<16x1xi32>
    %gather3A_646 = vector.shape_cast %reshape3A_645 : vector<16x1xi32> to vector<16xi32>
    %gather3A_647 = tpu.dynamic_gather %select_n3A_151[%gather3A_646] in [0] : vector<16xf32>, vector<16xi32> -> vector<16xf32>
    %add3A_648 = arith.addf %gather3A_644, %gather3A_647 : vector<16xf32>
    %swap3A_649 = arith.constant 592 : index
    %swap3A_650 = tpu.vector_load %arg10[%swap3A_649] {strides = array<i32>} : memref<1024xf32, #tpu.memory_space<vmem>>, vector<16xf32>,
    tpu.vector_store %arg10[%swap3A_649], %add3A_648 {strides = array<i32>} : memref<1024xf32, #tpu.memory_space<vmem>>, vector<16xf32>,
    %get3A_651 = arith.constant 608 : index
    %get3A_652 = tpu.vector_load %arg8[%get3A_651] {strides = array<i32>} : memref<1024xi32, #tpu.memory_space<vmem>>, vector<16xi32>,
    %get3A_653 = arith.constant 608 : index
    %get3A_654 = tpu.vector_load %arg9[%get3A_653] {strides = array<i32>} : memref<1024xi32, #tpu.memory_space<vmem>>, vector<16xi32>,
    %reshape3A_655 = vector.shape_cast %get3A_652 : vector<16xi32> to vector<16x1xi32>
    %gather3A_656 = vector.shape_cast %reshape3A_655 : vector<16x1xi32> to vector<16xi32>
    %gather3A_657 = tpu.dynamic_gather %add3A_155[%gather3A_656] in [0] : vector<16xf32>, vector<16xi32> -> vector<16xf32>
    %reshape3A_658 = vector.shape_cast %get3A_654 : vector<16xi32> to vector<16x1xi32>
    %gather3A_659 = vector.shape_cast %reshape3A_658 : vector<16x1xi32> to vector<16xi32>
    %gather3A_660 = tpu.dynamic_gather %select_n3A_151[%gather3A_659] in [0] : vector<16xf32>, vector<16xi32> -> vector<16xf32>
    %add3A_661 = arith.addf %gather3A_657, %gather3A_660 : vector<16xf32>
    %swap3A_662 = arith.constant 608 : index
    %swap3A_663 = tpu.vector_load %arg10[%swap3A_662] {strides = array<i32>} : memref<1024xf32, #tpu.memory_space<vmem>>, vector<16xf32>,
    tpu.vector_store %arg10[%swap3A_662], %add3A_661 {strides = array<i32>} : memref<1024xf32, #tpu.memory_space<vmem>>, vector<16xf32>,
    %get3A_664 = arith.constant 624 : index
    %get3A_665 = tpu.vector_load %arg8[%get3A_664] {strides = array<i32>} : memref<1024xi32, #tpu.memory_space<vmem>>, vector<16xi32>,
    %get3A_666 = arith.constant 624 : index
    %get3A_667 = tpu.vector_load %arg9[%get3A_666] {strides = array<i32>} : memref<1024xi32, #tpu.memory_space<vmem>>, vector<16xi32>,
    %reshape3A_668 = vector.shape_cast %get3A_665 : vector<16xi32> to vector<16x1xi32>
    %gather3A_669 = vector.shape_cast %reshape3A_668 : vector<16x1xi32> to vector<16xi32>
    %gather3A_670 = tpu.dynamic_gather %add3A_155[%gather3A_669] in [0] : vector<16xf32>, vector<16xi32> -> vector<16xf32>
    %reshape3A_671 = vector.shape_cast %get3A_667 : vector<16xi32> to vector<16x1xi32>
    %gather3A_672 = vector.shape_cast %reshape3A_671 : vector<16x1xi32> to vector<16xi32>
    %gather3A_673 = tpu.dynamic_gather %select_n3A_151[%gather3A_672] in [0] : vector<16xf32>, vector<16xi32> -> vector<16xf32>
    %add3A_674 = arith.addf %gather3A_670, %gather3A_673 : vector<16xf32>
    %swap3A_675 = arith.constant 624 : index
    %swap3A_676 = tpu.vector_load %arg10[%swap3A_675] {strides = array<i32>} : memref<1024xf32, #tpu.memory_space<vmem>>, vector<16xf32>,
    tpu.vector_store %arg10[%swap3A_675], %add3A_674 {strides = array<i32>} : memref<1024xf32, #tpu.memory_space<vmem>>, vector<16xf32>,
    %get3A_677 = arith.constant 640 : index
    %get3A_678 = tpu.vector_load %arg8[%get3A_677] {strides = array<i32>} : memref<1024xi32, #tpu.memory_space<vmem>>, vector<16xi32>,
    %get3A_679 = arith.constant 640 : index
    %get3A_680 = tpu.vector_load %arg9[%get3A_679] {strides = array<i32>} : memref<1024xi32, #tpu.memory_space<vmem>>, vector<16xi32>,
    %reshape3A_681 = vector.shape_cast %get3A_678 : vector<16xi32> to vector<16x1xi32>
    %gather3A_682 = vector.shape_cast %reshape3A_681 : vector<16x1xi32> to vector<16xi32>
    %gather3A_683 = tpu.dynamic_gather %add3A_155[%gather3A_682] in [0] : vector<16xf32>, vector<16xi32> -> vector<16xf32>
    %reshape3A_684 = vector.shape_cast %get3A_680 : vector<16xi32> to vector<16x1xi32>
    %gather3A_685 = vector.shape_cast %reshape3A_684 : vector<16x1xi32> to vector<16xi32>
    %gather3A_686 = tpu.dynamic_gather %select_n3A_151[%gather3A_685] in [0] : vector<16xf32>, vector<16xi32> -> vector<16xf32>
    %add3A_687 = arith.addf %gather3A_683, %gather3A_686 : vector<16xf32>
    %swap3A_688 = arith.constant 640 : index
    %swap3A_689 = tpu.vector_load %arg10[%swap3A_688] {strides = array<i32>} : memref<1024xf32, #tpu.memory_space<vmem>>, vector<16xf32>,
    tpu.vector_store %arg10[%swap3A_688], %add3A_687 {strides = array<i32>} : memref<1024xf32, #tpu.memory_space<vmem>>, vector<16xf32>,
    %get3A_690 = arith.constant 656 : index
    %get3A_691 = tpu.vector_load %arg8[%get3A_690] {strides = array<i32>} : memref<1024xi32, #tpu.memory_space<vmem>>, vector<16xi32>,
    %get3A_692 = arith.constant 656 : index
    %get3A_693 = tpu.vector_load %arg9[%get3A_692] {strides = array<i32>} : memref<1024xi32, #tpu.memory_space<vmem>>, vector<16xi32>,
    %reshape3A_694 = vector.shape_cast %get3A_691 : vector<16xi32> to vector<16x1xi32>
    %gather3A_695 = vector.shape_cast %reshape3A_694 : vector<16x1xi32> to vector<16xi32>
    %gather3A_696 = tpu.dynamic_gather %add3A_155[%gather3A_695] in [0] : vector<16xf32>, vector<16xi32> -> vector<16xf32>
    %reshape3A_697 = vector.shape_cast %get3A_693 : vector<16xi32> to vector<16x1xi32>
    %gather3A_698 = vector.shape_cast %reshape3A_697 : vector<16x1xi32> to vector<16xi32>
    %gather3A_699 = tpu.dynamic_gather %select_n3A_151[%gather3A_698] in [0] : vector<16xf32>, vector<16xi32> -> vector<16xf32>
    %add3A_700 = arith.addf %gather3A_696, %gather3A_699 : vector<16xf32>
    %swap3A_701 = arith.constant 656 : index
    %swap3A_702 = tpu.vector_load %arg10[%swap3A_701] {strides = array<i32>} : memref<1024xf32, #tpu.memory_space<vmem>>, vector<16xf32>,
    tpu.vector_store %arg10[%swap3A_701], %add3A_700 {strides = array<i32>} : memref<1024xf32, #tpu.memory_space<vmem>>, vector<16xf32>,
    %get3A_703 = arith.constant 672 : index
    %get3A_704 = tpu.vector_load %arg8[%get3A_703] {strides = array<i32>} : memref<1024xi32, #tpu.memory_space<vmem>>, vector<16xi32>,
    %get3A_705 = arith.constant 672 : index
    %get3A_706 = tpu.vector_load %arg9[%get3A_705] {strides = array<i32>} : memref<1024xi32, #tpu.memory_space<vmem>>, vector<16xi32>,
    %reshape3A_707 = vector.shape_cast %get3A_704 : vector<16xi32> to vector<16x1xi32>
    %gather3A_708 = vector.shape_cast %reshape3A_707 : vector<16x1xi32> to vector<16xi32>
    %gather3A_709 = tpu.dynamic_gather %add3A_155[%gather3A_708] in [0] : vector<16xf32>, vector<16xi32> -> vector<16xf32>
    %reshape3A_710 = vector.shape_cast %get3A_706 : vector<16xi32> to vector<16x1xi32>
    %gather3A_711 = vector.shape_cast %reshape3A_710 : vector<16x1xi32> to vector<16xi32>
    %gather3A_712 = tpu.dynamic_gather %select_n3A_151[%gather3A_711] in [0] : vector<16xf32>, vector<16xi32> -> vector<16xf32>
    %add3A_713 = arith.addf %gather3A_709, %gather3A_712 : vector<16xf32>
    %swap3A_714 = arith.constant 672 : index
    %swap3A_715 = tpu.vector_load %arg10[%swap3A_714] {strides = array<i32>} : memref<1024xf32, #tpu.memory_space<vmem>>, vector<16xf32>,
    tpu.vector_store %arg10[%swap3A_714], %add3A_713 {strides = array<i32>} : memref<1024xf32, #tpu.memory_space<vmem>>, vector<16xf32>,
    %get3A_716 = arith.constant 688 : index
    %get3A_717 = tpu.vector_load %arg8[%get3A_716] {strides = array<i32>} : memref<1024xi32, #tpu.memory_space<vmem>>, vector<16xi32>,
    %get3A_718 = arith.constant 688 : index
    %get3A_719 = tpu.vector_load %arg9[%get3A_718] {strides = array<i32>} : memref<1024xi32, #tpu.memory_space<vmem>>, vector<16xi32>,
    %reshape3A_720 = vector.shape_cast %get3A_717 : vector<16xi32> to vector<16x1xi32>
    %gather3A_721 = vector.shape_cast %reshape3A_720 : vector<16x1xi32> to vector<16xi32>
    %gather3A_722 = tpu.dynamic_gather %add3A_155[%gather3A_721] in [0] : vector<16xf32>, vector<16xi32> -> vector<16xf32>
    %reshape3A_723 = vector.shape_cast %get3A_719 : vector<16xi32> to vector<16x1xi32>
    %gather3A_724 = vector.shape_cast %reshape3A_723 : vector<16x1xi32> to vector<16xi32>
    %gather3A_725 = tpu.dynamic_gather %select_n3A_151[%gather3A_724] in [0] : vector<16xf32>, vector<16xi32> -> vector<16xf32>
    %add3A_726 = arith.addf %gather3A_722, %gather3A_725 : vector<16xf32>
    %swap3A_727 = arith.constant 688 : index
    %swap3A_728 = tpu.vector_load %arg10[%swap3A_727] {strides = array<i32>} : memref<1024xf32, #tpu.memory_space<vmem>>, vector<16xf32>,
    tpu.vector_store %arg10[%swap3A_727], %add3A_726 {strides = array<i32>} : memref<1024xf32, #tpu.memory_space<vmem>>, vector<16xf32>,
    %get3A_729 = arith.constant 704 : index
    %get3A_730 = tpu.vector_load %arg8[%get3A_729] {strides = array<i32>} : memref<1024xi32, #tpu.memory_space<vmem>>, vector<16xi32>,
    %get3A_731 = arith.constant 704 : index
    %get3A_732 = tpu.vector_load %arg9[%get3A_731] {strides = array<i32>} : memref<1024xi32, #tpu.memory_space<vmem>>, vector<16xi32>,
    %reshape3A_733 = vector.shape_cast %get3A_730 : vector<16xi32> to vector<16x1xi32>
    %gather3A_734 = vector.shape_cast %reshape3A_733 : vector<16x1xi32> to vector<16xi32>
    %gather3A_735 = tpu.dynamic_gather %add3A_155[%gather3A_734] in [0] : vector<16xf32>, vector<16xi32> -> vector<16xf32>
    %reshape3A_736 = vector.shape_cast %get3A_732 : vector<16xi32> to vector<16x1xi32>
    %gather3A_737 = vector.shape_cast %reshape3A_736 : vector<16x1xi32> to vector<16xi32>
    %gather3A_738 = tpu.dynamic_gather %select_n3A_151[%gather3A_737] in [0] : vector<16xf32>, vector<16xi32> -> vector<16xf32>
    %add3A_739 = arith.addf %gather3A_735, %gather3A_738 : vector<16xf32>
    %swap3A_740 = arith.constant 704 : index
    %swap3A_741 = tpu.vector_load %arg10[%swap3A_740] {strides = array<i32>} : memref<1024xf32, #tpu.memory_space<vmem>>, vector<16xf32>,
    tpu.vector_store %arg10[%swap3A_740], %add3A_739 {strides = array<i32>} : memref<1024xf32, #tpu.memory_space<vmem>>, vector<16xf32>,
    %get3A_742 = arith.constant 720 : index
    %get3A_743 = tpu.vector_load %arg8[%get3A_742] {strides = array<i32>} : memref<1024xi32, #tpu.memory_space<vmem>>, vector<16xi32>,
    %get3A_744 = arith.constant 720 : index
    %get3A_745 = tpu.vector_load %arg9[%get3A_744] {strides = array<i32>} : memref<1024xi32, #tpu.memory_space<vmem>>, vector<16xi32>,
    %reshape3A_746 = vector.shape_cast %get3A_743 : vector<16xi32> to vector<16x1xi32>
    %gather3A_747 = vector.shape_cast %reshape3A_746 : vector<16x1xi32> to vector<16xi32>
    %gather3A_748 = tpu.dynamic_gather %add3A_155[%gather3A_747] in [0] : vector<16xf32>, vector<16xi32> -> vector<16xf32>
    %reshape3A_749 = vector.shape_cast %get3A_745 : vector<16xi32> to vector<16x1xi32>
    %gather3A_750 = vector.shape_cast %reshape3A_749 : vector<16x1xi32> to vector<16xi32>
    %gather3A_751 = tpu.dynamic_gather %select_n3A_151[%gather3A_750] in [0] : vector<16xf32>, vector<16xi32> -> vector<16xf32>
    %add3A_752 = arith.addf %gather3A_748, %gather3A_751 : vector<16xf32>
    %swap3A_753 = arith.constant 720 : index
    %swap3A_754 = tpu.vector_load %arg10[%swap3A_753] {strides = array<i32>} : memref<1024xf32, #tpu.memory_space<vmem>>, vector<16xf32>,
    tpu.vector_store %arg10[%swap3A_753], %add3A_752 {strides = array<i32>} : memref<1024xf32, #tpu.memory_space<vmem>>, vector<16xf32>,
    %get3A_755 = arith.constant 736 : index
    %get3A_756 = tpu.vector_load %arg8[%get3A_755] {strides = array<i32>} : memref<1024xi32, #tpu.memory_space<vmem>>, vector<16xi32>,
    %get3A_757 = arith.constant 736 : index
    %get3A_758 = tpu.vector_load %arg9[%get3A_757] {strides = array<i32>} : memref<1024xi32, #tpu.memory_space<vmem>>, vector<16xi32>,
    %reshape3A_759 = vector.shape_cast %get3A_756 : vector<16xi32> to vector<16x1xi32>
    %gather3A_760 = vector.shape_cast %reshape3A_759 : vector<16x1xi32> to vector<16xi32>
    %gather3A_761 = tpu.dynamic_gather %add3A_155[%gather3A_760] in [0] : vector<16xf32>, vector<16xi32> -> vector<16xf32>
    %reshape3A_762 = vector.shape_cast %get3A_758 : vector<16xi32> to vector<16x1xi32>
    %gather3A_763 = vector.shape_cast %reshape3A_762 : vector<16x1xi32> to vector<16xi32>
    %gather3A_764 = tpu.dynamic_gather %select_n3A_151[%gather3A_763] in [0] : vector<16xf32>, vector<16xi32> -> vector<16xf32>
    %add3A_765 = arith.addf %gather3A_761, %gather3A_764 : vector<16xf32>
    %swap3A_766 = arith.constant 736 : index
    %swap3A_767 = tpu.vector_load %arg10[%swap3A_766] {strides = array<i32>} : memref<1024xf32, #tpu.memory_space<vmem>>, vector<16xf32>,
    tpu.vector_store %arg10[%swap3A_766], %add3A_765 {strides = array<i32>} : memref<1024xf32, #tpu.memory_space<vmem>>, vector<16xf32>,
    %get3A_768 = arith.constant 752 : index
    %get3A_769 = tpu.vector_load %arg8[%get3A_768] {strides = array<i32>} : memref<1024xi32, #tpu.memory_space<vmem>>, vector<16xi32>,
    %get3A_770 = arith.constant 752 : index
    %get3A_771 = tpu.vector_load %arg9[%get3A_770] {strides = array<i32>} : memref<1024xi32, #tpu.memory_space<vmem>>, vector<16xi32>,
    %reshape3A_772 = vector.shape_cast %get3A_769 : vector<16xi32> to vector<16x1xi32>
    %gather3A_773 = vector.shape_cast %reshape3A_772 : vector<16x1xi32> to vector<16xi32>
    %gather3A_774 = tpu.dynamic_gather %add3A_155[%gather3A_773] in [0] : vector<16xf32>, vector<16xi32> -> vector<16xf32>
    %reshape3A_775 = vector.shape_cast %get3A_771 : vector<16xi32> to vector<16x1xi32>
    %gather3A_776 = vector.shape_cast %reshape3A_775 : vector<16x1xi32> to vector<16xi32>
    %gather3A_777 = tpu.dynamic_gather %select_n3A_151[%gather3A_776] in [0] : vector<16xf32>, vector<16xi32> -> vector<16xf32>
    %add3A_778 = arith.addf %gather3A_774, %gather3A_777 : vector<16xf32>
    %swap3A_779 = arith.constant 752 : index
    %swap3A_780 = tpu.vector_load %arg10[%swap3A_779] {strides = array<i32>} : memref<1024xf32, #tpu.memory_space<vmem>>, vector<16xf32>,
    tpu.vector_store %arg10[%swap3A_779], %add3A_778 {strides = array<i32>} : memref<1024xf32, #tpu.memory_space<vmem>>, vector<16xf32>,
    %get3A_781 = arith.constant 768 : index
    %get3A_782 = tpu.vector_load %arg8[%get3A_781] {strides = array<i32>} : memref<1024xi32, #tpu.memory_space<vmem>>, vector<16xi32>,
    %get3A_783 = arith.constant 768 : index
    %get3A_784 = tpu.vector_load %arg9[%get3A_783] {strides = array<i32>} : memref<1024xi32, #tpu.memory_space<vmem>>, vector<16xi32>,
    %reshape3A_785 = vector.shape_cast %get3A_782 : vector<16xi32> to vector<16x1xi32>
    %gather3A_786 = vector.shape_cast %reshape3A_785 : vector<16x1xi32> to vector<16xi32>
    %gather3A_787 = tpu.dynamic_gather %add3A_155[%gather3A_786] in [0] : vector<16xf32>, vector<16xi32> -> vector<16xf32>
    %reshape3A_788 = vector.shape_cast %get3A_784 : vector<16xi32> to vector<16x1xi32>
    %gather3A_789 = vector.shape_cast %reshape3A_788 : vector<16x1xi32> to vector<16xi32>
    %gather3A_790 = tpu.dynamic_gather %select_n3A_151[%gather3A_789] in [0] : vector<16xf32>, vector<16xi32> -> vector<16xf32>
    %add3A_791 = arith.addf %gather3A_787, %gather3A_790 : vector<16xf32>
    %swap3A_792 = arith.constant 768 : index
    %swap3A_793 = tpu.vector_load %arg10[%swap3A_792] {strides = array<i32>} : memref<1024xf32, #tpu.memory_space<vmem>>, vector<16xf32>,
    tpu.vector_store %arg10[%swap3A_792], %add3A_791 {strides = array<i32>} : memref<1024xf32, #tpu.memory_space<vmem>>, vector<16xf32>,
    %get3A_794 = arith.constant 784 : index
    %get3A_795 = tpu.vector_load %arg8[%get3A_794] {strides = array<i32>} : memref<1024xi32, #tpu.memory_space<vmem>>, vector<16xi32>,
    %get3A_796 = arith.constant 784 : index
    %get3A_797 = tpu.vector_load %arg9[%get3A_796] {strides = array<i32>} : memref<1024xi32, #tpu.memory_space<vmem>>, vector<16xi32>,
    %reshape3A_798 = vector.shape_cast %get3A_795 : vector<16xi32> to vector<16x1xi32>
    %gather3A_799 = vector.shape_cast %reshape3A_798 : vector<16x1xi32> to vector<16xi32>
    %gather3A_800 = tpu.dynamic_gather %add3A_155[%gather3A_799] in [0] : vector<16xf32>, vector<16xi32> -> vector<16xf32>
    %reshape3A_801 = vector.shape_cast %get3A_797 : vector<16xi32> to vector<16x1xi32>
    %gather3A_802 = vector.shape_cast %reshape3A_801 : vector<16x1xi32> to vector<16xi32>
    %gather3A_803 = tpu.dynamic_gather %select_n3A_151[%gather3A_802] in [0] : vector<16xf32>, vector<16xi32> -> vector<16xf32>
    %add3A_804 = arith.addf %gather3A_800, %gather3A_803 : vector<16xf32>
    %swap3A_805 = arith.constant 784 : index
    %swap3A_806 = tpu.vector_load %arg10[%swap3A_805] {strides = array<i32>} : memref<1024xf32, #tpu.memory_space<vmem>>, vector<16xf32>,
    tpu.vector_store %arg10[%swap3A_805], %add3A_804 {strides = array<i32>} : memref<1024xf32, #tpu.memory_space<vmem>>, vector<16xf32>,
    %get3A_807 = arith.constant 800 : index
    %get3A_808 = tpu.vector_load %arg8[%get3A_807] {strides = array<i32>} : memref<1024xi32, #tpu.memory_space<vmem>>, vector<16xi32>,
    %get3A_809 = arith.constant 800 : index
    %get3A_810 = tpu.vector_load %arg9[%get3A_809] {strides = array<i32>} : memref<1024xi32, #tpu.memory_space<vmem>>, vector<16xi32>,
    %reshape3A_811 = vector.shape_cast %get3A_808 : vector<16xi32> to vector<16x1xi32>
    %gather3A_812 = vector.shape_cast %reshape3A_811 : vector<16x1xi32> to vector<16xi32>
    %gather3A_813 = tpu.dynamic_gather %add3A_155[%gather3A_812] in [0] : vector<16xf32>, vector<16xi32> -> vector<16xf32>
    %reshape3A_814 = vector.shape_cast %get3A_810 : vector<16xi32> to vector<16x1xi32>
    %gather3A_815 = vector.shape_cast %reshape3A_814 : vector<16x1xi32> to vector<16xi32>
    %gather3A_816 = tpu.dynamic_gather %select_n3A_151[%gather3A_815] in [0] : vector<16xf32>, vector<16xi32> -> vector<16xf32>
    %add3A_817 = arith.addf %gather3A_813, %gather3A_816 : vector<16xf32>
    %swap3A_818 = arith.constant 800 : index
    %swap3A_819 = tpu.vector_load %arg10[%swap3A_818] {strides = array<i32>} : memref<1024xf32, #tpu.memory_space<vmem>>, vector<16xf32>,
    tpu.vector_store %arg10[%swap3A_818], %add3A_817 {strides = array<i32>} : memref<1024xf32, #tpu.memory_space<vmem>>, vector<16xf32>,
    %get3A_820 = arith.constant 816 : index
    %get3A_821 = tpu.vector_load %arg8[%get3A_820] {strides = array<i32>} : memref<1024xi32, #tpu.memory_space<vmem>>, vector<16xi32>,
    %get3A_822 = arith.constant 816 : index
    %get3A_823 = tpu.vector_load %arg9[%get3A_822] {strides = array<i32>} : memref<1024xi32, #tpu.memory_space<vmem>>, vector<16xi32>,
    %reshape3A_824 = vector.shape_cast %get3A_821 : vector<16xi32> to vector<16x1xi32>
    %gather3A_825 = vector.shape_cast %reshape3A_824 : vector<16x1xi32> to vector<16xi32>
    %gather3A_826 = tpu.dynamic_gather %add3A_155[%gather3A_825] in [0] : vector<16xf32>, vector<16xi32> -> vector<16xf32>
    %reshape3A_827 = vector.shape_cast %get3A_823 : vector<16xi32> to vector<16x1xi32>
    %gather3A_828 = vector.shape_cast %reshape3A_827 : vector<16x1xi32> to vector<16xi32>
    %gather3A_829 = tpu.dynamic_gather %select_n3A_151[%gather3A_828] in [0] : vector<16xf32>, vector<16xi32> -> vector<16xf32>
    %add3A_830 = arith.addf %gather3A_826, %gather3A_829 : vector<16xf32>
    %swap3A_831 = arith.constant 816 : index
    %swap3A_832 = tpu.vector_load %arg10[%swap3A_831] {strides = array<i32>} : memref<1024xf32, #tpu.memory_space<vmem>>, vector<16xf32>,
    tpu.vector_store %arg10[%swap3A_831], %add3A_830 {strides = array<i32>} : memref<1024xf32, #tpu.memory_space<vmem>>, vector<16xf32>,
    %get3A_833 = arith.constant 832 : index
    %get3A_834 = tpu.vector_load %arg8[%get3A_833] {strides = array<i32>} : memref<1024xi32, #tpu.memory_space<vmem>>, vector<16xi32>,
    %get3A_835 = arith.constant 832 : index
    %get3A_836 = tpu.vector_load %arg9[%get3A_835] {strides = array<i32>} : memref<1024xi32, #tpu.memory_space<vmem>>, vector<16xi32>,
    %reshape3A_837 = vector.shape_cast %get3A_834 : vector<16xi32> to vector<16x1xi32>
    %gather3A_838 = vector.shape_cast %reshape3A_837 : vector<16x1xi32> to vector<16xi32>
    %gather3A_839 = tpu.dynamic_gather %add3A_155[%gather3A_838] in [0] : vector<16xf32>, vector<16xi32> -> vector<16xf32>
    %reshape3A_840 = vector.shape_cast %get3A_836 : vector<16xi32> to vector<16x1xi32>
    %gather3A_841 = vector.shape_cast %reshape3A_840 : vector<16x1xi32> to vector<16xi32>
    %gather3A_842 = tpu.dynamic_gather %select_n3A_151[%gather3A_841] in [0] : vector<16xf32>, vector<16xi32> -> vector<16xf32>
    %add3A_843 = arith.addf %gather3A_839, %gather3A_842 : vector<16xf32>
    %swap3A_844 = arith.constant 832 : index
    %swap3A_845 = tpu.vector_load %arg10[%swap3A_844] {strides = array<i32>} : memref<1024xf32, #tpu.memory_space<vmem>>, vector<16xf32>,
    tpu.vector_store %arg10[%swap3A_844], %add3A_843 {strides = array<i32>} : memref<1024xf32, #tpu.memory_space<vmem>>, vector<16xf32>,
    %get3A_846 = arith.constant 848 : index
    %get3A_847 = tpu.vector_load %arg8[%get3A_846] {strides = array<i32>} : memref<1024xi32, #tpu.memory_space<vmem>>, vector<16xi32>,
    %get3A_848 = arith.constant 848 : index
    %get3A_849 = tpu.vector_load %arg9[%get3A_848] {strides = array<i32>} : memref<1024xi32, #tpu.memory_space<vmem>>, vector<16xi32>,
    %reshape3A_850 = vector.shape_cast %get3A_847 : vector<16xi32> to vector<16x1xi32>
    %gather3A_851 = vector.shape_cast %reshape3A_850 : vector<16x1xi32> to vector<16xi32>
    %gather3A_852 = tpu.dynamic_gather %add3A_155[%gather3A_851] in [0] : vector<16xf32>, vector<16xi32> -> vector<16xf32>
    %reshape3A_853 = vector.shape_cast %get3A_849 : vector<16xi32> to vector<16x1xi32>
    %gather3A_854 = vector.shape_cast %reshape3A_853 : vector<16x1xi32> to vector<16xi32>
    %gather3A_855 = tpu.dynamic_gather %select_n3A_151[%gather3A_854] in [0] : vector<16xf32>, vector<16xi32> -> vector<16xf32>
    %add3A_856 = arith.addf %gather3A_852, %gather3A_855 : vector<16xf32>
    %swap3A_857 = arith.constant 848 : index
    %swap3A_858 = tpu.vector_load %arg10[%swap3A_857] {strides = array<i32>} : memref<1024xf32, #tpu.memory_space<vmem>>, vector<16xf32>,
    tpu.vector_store %arg10[%swap3A_857], %add3A_856 {strides = array<i32>} : memref<1024xf32, #tpu.memory_space<vmem>>, vector<16xf32>,
    %get3A_859 = arith.constant 864 : index
    %get3A_860 = tpu.vector_load %arg8[%get3A_859] {strides = array<i32>} : memref<1024xi32, #tpu.memory_space<vmem>>, vector<16xi32>,
    %get3A_861 = arith.constant 864 : index
    %get3A_862 = tpu.vector_load %arg9[%get3A_861] {strides = array<i32>} : memref<1024xi32, #tpu.memory_space<vmem>>, vector<16xi32>,
    %reshape3A_863 = vector.shape_cast %get3A_860 : vector<16xi32> to vector<16x1xi32>
    %gather3A_864 = vector.shape_cast %reshape3A_863 : vector<16x1xi32> to vector<16xi32>
    %gather3A_865 = tpu.dynamic_gather %add3A_155[%gather3A_864] in [0] : vector<16xf32>, vector<16xi32> -> vector<16xf32>
    %reshape3A_866 = vector.shape_cast %get3A_862 : vector<16xi32> to vector<16x1xi32>
    %gather3A_867 = vector.shape_cast %reshape3A_866 : vector<16x1xi32> to vector<16xi32>
    %gather3A_868 = tpu.dynamic_gather %select_n3A_151[%gather3A_867] in [0] : vector<16xf32>, vector<16xi32> -> vector<16xf32>
    %add3A_869 = arith.addf %gather3A_865, %gather3A_868 : vector<16xf32>
    %swap3A_870 = arith.constant 864 : index
    %swap3A_871 = tpu.vector_load %arg10[%swap3A_870] {strides = array<i32>} : memref<1024xf32, #tpu.memory_space<vmem>>, vector<16xf32>,
    tpu.vector_store %arg10[%swap3A_870], %add3A_869 {strides = array<i32>} : memref<1024xf32, #tpu.memory_space<vmem>>, vector<16xf32>,
    %get3A_872 = arith.constant 880 : index
    %get3A_873 = tpu.vector_load %arg8[%get3A_872] {strides = array<i32>} : memref<1024xi32, #tpu.memory_space<vmem>>, vector<16xi32>,
    %get3A_874 = arith.constant 880 : index
    %get3A_875 = tpu.vector_load %arg9[%get3A_874] {strides = array<i32>} : memref<1024xi32, #tpu.memory_space<vmem>>, vector<16xi32>,
    %reshape3A_876 = vector.shape_cast %get3A_873 : vector<16xi32> to vector<16x1xi32>
    %gather3A_877 = vector.shape_cast %reshape3A_876 : vector<16x1xi32> to vector<16xi32>
    %gather3A_878 = tpu.dynamic_gather %add3A_155[%gather3A_877] in [0] : vector<16xf32>, vector<16xi32> -> vector<16xf32>
    %reshape3A_879 = vector.shape_cast %get3A_875 : vector<16xi32> to vector<16x1xi32>
    %gather3A_880 = vector.shape_cast %reshape3A_879 : vector<16x1xi32> to vector<16xi32>
    %gather3A_881 = tpu.dynamic_gather %select_n3A_151[%gather3A_880] in [0] : vector<16xf32>, vector<16xi32> -> vector<16xf32>
    %add3A_882 = arith.addf %gather3A_878, %gather3A_881 : vector<16xf32>
    %swap3A_883 = arith.constant 880 : index
    %swap3A_884 = tpu.vector_load %arg10[%swap3A_883] {strides = array<i32>} : memref<1024xf32, #tpu.memory_space<vmem>>, vector<16xf32>,
    tpu.vector_store %arg10[%swap3A_883], %add3A_882 {strides = array<i32>} : memref<1024xf32, #tpu.memory_space<vmem>>, vector<16xf32>,
    %get3A_885 = arith.constant 896 : index
    %get3A_886 = tpu.vector_load %arg8[%get3A_885] {strides = array<i32>} : memref<1024xi32, #tpu.memory_space<vmem>>, vector<16xi32>,
    %get3A_887 = arith.constant 896 : index
    %get3A_888 = tpu.vector_load %arg9[%get3A_887] {strides = array<i32>} : memref<1024xi32, #tpu.memory_space<vmem>>, vector<16xi32>,
    %reshape3A_889 = vector.shape_cast %get3A_886 : vector<16xi32> to vector<16x1xi32>
    %gather3A_890 = vector.shape_cast %reshape3A_889 : vector<16x1xi32> to vector<16xi32>
    %gather3A_891 = tpu.dynamic_gather %add3A_155[%gather3A_890] in [0] : vector<16xf32>, vector<16xi32> -> vector<16xf32>
    %reshape3A_892 = vector.shape_cast %get3A_888 : vector<16xi32> to vector<16x1xi32>
    %gather3A_893 = vector.shape_cast %reshape3A_892 : vector<16x1xi32> to vector<16xi32>
    %gather3A_894 = tpu.dynamic_gather %select_n3A_151[%gather3A_893] in [0] : vector<16xf32>, vector<16xi32> -> vector<16xf32>
    %add3A_895 = arith.addf %gather3A_891, %gather3A_894 : vector<16xf32>
    %swap3A_896 = arith.constant 896 : index
    %swap3A_897 = tpu.vector_load %arg10[%swap3A_896] {strides = array<i32>} : memref<1024xf32, #tpu.memory_space<vmem>>, vector<16xf32>,
    tpu.vector_store %arg10[%swap3A_896], %add3A_895 {strides = array<i32>} : memref<1024xf32, #tpu.memory_space<vmem>>, vector<16xf32>,
    %get3A_898 = arith.constant 912 : index
    %get3A_899 = tpu.vector_load %arg8[%get3A_898] {strides = array<i32>} : memref<1024xi32, #tpu.memory_space<vmem>>, vector<16xi32>,
    %get3A_900 = arith.constant 912 : index
    %get3A_901 = tpu.vector_load %arg9[%get3A_900] {strides = array<i32>} : memref<1024xi32, #tpu.memory_space<vmem>>, vector<16xi32>,
    %reshape3A_902 = vector.shape_cast %get3A_899 : vector<16xi32> to vector<16x1xi32>
    %gather3A_903 = vector.shape_cast %reshape3A_902 : vector<16x1xi32> to vector<16xi32>
    %gather3A_904 = tpu.dynamic_gather %add3A_155[%gather3A_903] in [0] : vector<16xf32>, vector<16xi32> -> vector<16xf32>
    %reshape3A_905 = vector.shape_cast %get3A_901 : vector<16xi32> to vector<16x1xi32>
    %gather3A_906 = vector.shape_cast %reshape3A_905 : vector<16x1xi32> to vector<16xi32>
    %gather3A_907 = tpu.dynamic_gather %select_n3A_151[%gather3A_906] in [0] : vector<16xf32>, vector<16xi32> -> vector<16xf32>
    %add3A_908 = arith.addf %gather3A_904, %gather3A_907 : vector<16xf32>
    %swap3A_909 = arith.constant 912 : index
    %swap3A_910 = tpu.vector_load %arg10[%swap3A_909] {strides = array<i32>} : memref<1024xf32, #tpu.memory_space<vmem>>, vector<16xf32>,
    tpu.vector_store %arg10[%swap3A_909], %add3A_908 {strides = array<i32>} : memref<1024xf32, #tpu.memory_space<vmem>>, vector<16xf32>,
    %get3A_911 = arith.constant 928 : index
    %get3A_912 = tpu.vector_load %arg8[%get3A_911] {strides = array<i32>} : memref<1024xi32, #tpu.memory_space<vmem>>, vector<16xi32>,
    %get3A_913 = arith.constant 928 : index
    %get3A_914 = tpu.vector_load %arg9[%get3A_913] {strides = array<i32>} : memref<1024xi32, #tpu.memory_space<vmem>>, vector<16xi32>,
    %reshape3A_915 = vector.shape_cast %get3A_912 : vector<16xi32> to vector<16x1xi32>
    %gather3A_916 = vector.shape_cast %reshape3A_915 : vector<16x1xi32> to vector<16xi32>
    %gather3A_917 = tpu.dynamic_gather %add3A_155[%gather3A_916] in [0] : vector<16xf32>, vector<16xi32> -> vector<16xf32>
    %reshape3A_918 = vector.shape_cast %get3A_914 : vector<16xi32> to vector<16x1xi32>
    %gather3A_919 = vector.shape_cast %reshape3A_918 : vector<16x1xi32> to vector<16xi32>
    %gather3A_920 = tpu.dynamic_gather %select_n3A_151[%gather3A_919] in [0] : vector<16xf32>, vector<16xi32> -> vector<16xf32>
    %add3A_921 = arith.addf %gather3A_917, %gather3A_920 : vector<16xf32>
    %swap3A_922 = arith.constant 928 : index
    %swap3A_923 = tpu.vector_load %arg10[%swap3A_922] {strides = array<i32>} : memref<1024xf32, #tpu.memory_space<vmem>>, vector<16xf32>,
    tpu.vector_store %arg10[%swap3A_922], %add3A_921 {strides = array<i32>} : memref<1024xf32, #tpu.memory_space<vmem>>, vector<16xf32>,
    %get3A_924 = arith.constant 944 : index
    %get3A_925 = tpu.vector_load %arg8[%get3A_924] {strides = array<i32>} : memref<1024xi32, #tpu.memory_space<vmem>>, vector<16xi32>,
    %get3A_926 = arith.constant 944 : index
    %get3A_927 = tpu.vector_load %arg9[%get3A_926] {strides = array<i32>} : memref<1024xi32, #tpu.memory_space<vmem>>, vector<16xi32>,
    %reshape3A_928 = vector.shape_cast %get3A_925 : vector<16xi32> to vector<16x1xi32>
    %gather3A_929 = vector.shape_cast %reshape3A_928 : vector<16x1xi32> to vector<16xi32>
    %gather3A_930 = tpu.dynamic_gather %add3A_155[%gather3A_929] in [0] : vector<16xf32>, vector<16xi32> -> vector<16xf32>
    %reshape3A_931 = vector.shape_cast %get3A_927 : vector<16xi32> to vector<16x1xi32>
    %gather3A_932 = vector.shape_cast %reshape3A_931 : vector<16x1xi32> to vector<16xi32>
    %gather3A_933 = tpu.dynamic_gather %select_n3A_151[%gather3A_932] in [0] : vector<16xf32>, vector<16xi32> -> vector<16xf32>
    %add3A_934 = arith.addf %gather3A_930, %gather3A_933 : vector<16xf32>
    %swap3A_935 = arith.constant 944 : index
    %swap3A_936 = tpu.vector_load %arg10[%swap3A_935] {strides = array<i32>} : memref<1024xf32, #tpu.memory_space<vmem>>, vector<16xf32>,
    tpu.vector_store %arg10[%swap3A_935], %add3A_934 {strides = array<i32>} : memref<1024xf32, #tpu.memory_space<vmem>>, vector<16xf32>,
    %get3A_937 = arith.constant 960 : index
    %get3A_938 = tpu.vector_load %arg8[%get3A_937] {strides = array<i32>} : memref<1024xi32, #tpu.memory_space<vmem>>, vector<16xi32>,
    %get3A_939 = arith.constant 960 : index
    %get3A_940 = tpu.vector_load %arg9[%get3A_939] {strides = array<i32>} : memref<1024xi32, #tpu.memory_space<vmem>>, vector<16xi32>,
    %reshape3A_941 = vector.shape_cast %get3A_938 : vector<16xi32> to vector<16x1xi32>
    %gather3A_942 = vector.shape_cast %reshape3A_941 : vector<16x1xi32> to vector<16xi32>
    %gather3A_943 = tpu.dynamic_gather %add3A_155[%gather3A_942] in [0] : vector<16xf32>, vector<16xi32> -> vector<16xf32>
    %reshape3A_944 = vector.shape_cast %get3A_940 : vector<16xi32> to vector<16x1xi32>
    %gather3A_945 = vector.shape_cast %reshape3A_944 : vector<16x1xi32> to vector<16xi32>
    %gather3A_946 = tpu.dynamic_gather %select_n3A_151[%gather3A_945] in [0] : vector<16xf32>, vector<16xi32> -> vector<16xf32>
    %add3A_947 = arith.addf %gather3A_943, %gather3A_946 : vector<16xf32>
    %swap3A_948 = arith.constant 960 : index
    %swap3A_949 = tpu.vector_load %arg10[%swap3A_948] {strides = array<i32>} : memref<1024xf32, #tpu.memory_space<vmem>>, vector<16xf32>,
    tpu.vector_store %arg10[%swap3A_948], %add3A_947 {strides = array<i32>} : memref<1024xf32, #tpu.memory_space<vmem>>, vector<16xf32>,
    %get3A_950 = arith.constant 976 : index
    %get3A_951 = tpu.vector_load %arg8[%get3A_950] {strides = array<i32>} : memref<1024xi32, #tpu.memory_space<vmem>>, vector<16xi32>,
    %get3A_952 = arith.constant 976 : index
    %get3A_953 = tpu.vector_load %arg9[%get3A_952] {strides = array<i32>} : memref<1024xi32, #tpu.memory_space<vmem>>, vector<16xi32>,
    %reshape3A_954 = vector.shape_cast %get3A_951 : vector<16xi32> to vector<16x1xi32>
    %gather3A_955 = vector.shape_cast %reshape3A_954 : vector<16x1xi32> to vector<16xi32>
    %gather3A_956 = tpu.dynamic_gather %add3A_155[%gather3A_955] in [0] : vector<16xf32>, vector<16xi32> -> vector<16xf32>
    %reshape3A_957 = vector.shape_cast %get3A_953 : vector<16xi32> to vector<16x1xi32>
    %gather3A_958 = vector.shape_cast %reshape3A_957 : vector<16x1xi32> to vector<16xi32>
    %gather3A_959 = tpu.dynamic_gather %select_n3A_151[%gather3A_958] in [0] : vector<16xf32>, vector<16xi32> -> vector<16xf32>
    %add3A_960 = arith.addf %gather3A_956, %gather3A_959 : vector<16xf32>
    %swap3A_961 = arith.constant 976 : index
    %swap3A_962 = tpu.vector_load %arg10[%swap3A_961] {strides = array<i32>} : memref<1024xf32, #tpu.memory_space<vmem>>, vector<16xf32>,
    tpu.vector_store %arg10[%swap3A_961], %add3A_960 {strides = array<i32>} : memref<1024xf32, #tpu.memory_space<vmem>>, vector<16xf32>,
    %get3A_963 = arith.constant 992 : index
    %get3A_964 = tpu.vector_load %arg8[%get3A_963] {strides = array<i32>} : memref<1024xi32, #tpu.memory_space<vmem>>, vector<16xi32>,
    %get3A_965 = arith.constant 992 : index
    %get3A_966 = tpu.vector_load %arg9[%get3A_965] {strides = array<i32>} : memref<1024xi32, #tpu.memory_space<vmem>>, vector<16xi32>,
    %reshape3A_967 = vector.shape_cast %get3A_964 : vector<16xi32> to vector<16x1xi32>
    %gather3A_968 = vector.shape_cast %reshape3A_967 : vector<16x1xi32> to vector<16xi32>
    %gather3A_969 = tpu.dynamic_gather %add3A_155[%gather3A_968] in [0] : vector<16xf32>, vector<16xi32> -> vector<16xf32>
    %reshape3A_970 = vector.shape_cast %get3A_966 : vector<16xi32> to vector<16x1xi32>
    %gather3A_971 = vector.shape_cast %reshape3A_970 : vector<16x1xi32> to vector<16xi32>
    %gather3A_972 = tpu.dynamic_gather %select_n3A_151[%gather3A_971] in [0] : vector<16xf32>, vector<16xi32> -> vector<16xf32>
    %add3A_973 = arith.addf %gather3A_969, %gather3A_972 : vector<16xf32>
    %swap3A_974 = arith.constant 992 : index
    %swap3A_975 = tpu.vector_load %arg10[%swap3A_974] {strides = array<i32>} : memref<1024xf32, #tpu.memory_space<vmem>>, vector<16xf32>,
    tpu.vector_store %arg10[%swap3A_974], %add3A_973 {strides = array<i32>} : memref<1024xf32, #tpu.memory_space<vmem>>, vector<16xf32>,
    %get3A_976 = arith.constant 1008 : index
    %get3A_977 = tpu.vector_load %arg8[%get3A_976] {strides = array<i32>} : memref<1024xi32, #tpu.memory_space<vmem>>, vector<16xi32>,
    %get3A_978 = arith.constant 1008 : index
    %get3A_979 = tpu.vector_load %arg9[%get3A_978] {strides = array<i32>} : memref<1024xi32, #tpu.memory_space<vmem>>, vector<16xi32>,
    %reshape3A_980 = vector.shape_cast %get3A_977 : vector<16xi32> to vector<16x1xi32>
    %gather3A_981 = vector.shape_cast %reshape3A_980 : vector<16x1xi32> to vector<16xi32>
    %gather3A_982 = tpu.dynamic_gather %add3A_155[%gather3A_981] in [0] : vector<16xf32>, vector<16xi32> -> vector<16xf32>
    %reshape3A_983 = vector.shape_cast %get3A_979 : vector<16xi32> to vector<16x1xi32>
    %gather3A_984 = vector.shape_cast %reshape3A_983 : vector<16x1xi32> to vector<16xi32>
    %gather3A_985 = tpu.dynamic_gather %select_n3A_151[%gather3A_984] in [0] : vector<16xf32>, vector<16xi32> -> vector<16xf32>
    %add3A_986 = arith.addf %gather3A_982, %gather3A_985 : vector<16xf32>
    %swap3A_987 = arith.constant 1008 : index
    %swap3A_988 = tpu.vector_load %arg10[%swap3A_987] {strides = array<i32>} : memref<1024xf32, #tpu.memory_space<vmem>>, vector<16xf32>,
    tpu.vector_store %arg10[%swap3A_987], %add3A_986 {strides = array<i32>} : memref<1024xf32, #tpu.memory_space<vmem>>, vector<16xf32>,
    %dma_start3A_989 = tpu.memref_slice %arg7[%mul3A_2] : memref<16384xf32, #tpu.memory_space<hbm>> -> memref<1024xf32, #tpu.memory_space<hbm>>
    %dma_start3A_990 = tpu.memref_slice %arg7[%mul3A_2] : memref<16384xf32, #tpu.memory_space<hbm>> -> memref<1024xf32, #tpu.memory_space<hbm>>
    tpu.enqueue_dma source(%arg10 : memref<1024xf32, #tpu.memory_space<vmem>>) target(%dma_start3A_990 : memref<1024xf32, #tpu.memory_space<hbm>>) target_semaphore(%arg14 : memref<!tpu.dma_semaphore, #tpu.memory_space<semaphore_mem>>)
    %dma_wait3A_991 = tpu.memref_slice %arg7[%mul3A_2] : memref<16384xf32, #tpu.memory_space<hbm>> -> memref<1024xf32, #tpu.memory_space<hbm>>
    %dma_wait3A_992 = tpu.memref_slice %arg7[%mul3A_2] : memref<16384xf32, #tpu.memory_space<hbm>> -> memref<1024xf32, #tpu.memory_space<hbm>>
    tpu.wait_dma2 semaphore(%arg14 : memref<!tpu.dma_semaphore, #tpu.memory_space<semaphore_mem>>) src(%arg10 : memref<1024xf32, #tpu.memory_space<vmem>>) dst(%dma_wait3A_992 : memref<1024xf32, #tpu.memory_space<hbm>>)
    return
  }
}

</mosaic_0001>

<sc_bundles>
// kernel: kernel.3.cloned.1.call-start
scs
__scs_entry_jumppad:
0x0: {  	(pc) =	sbr.rel $0x88, $3  }
0x1: {  	(tag) =	ssettag $0x0;
	lr =	simm.s32 $0x1  }
0x2: {  	[smem:$0x3F9C] =	sst lr;
	_ =	strace $0xD0000000  }
0x3: {  	_ = 	snop  }
0x4: {  	_ = 	snop  }
0x5: {  	_ = 	snop  }
0x6: {  	_ = 	snop  }
0x7: {  	_ = 	snop  }
__scs_overlays_trampoline_lowered:
0x8: {  	[smem:$0x3FAB] =	sst s0  }
0x9: {  	[smem:$0x3FAC] =	sst s1  }
0xa: {  	[smem:$0x3FAD] =	sst s2  }
0xb: {  	[smem:$0x3FAE] =	sst s3  }
0xc: {  	[smem:$0x3FAF] =	sst s4  }
0xd: {  	[smem:$0x3FB0] =	sst s5  }
0xe: {  	[smem:$0x3FB1] =	sst s6  }
0xf: {  	[smem:$0x3FB2] =	sst s7  }
0x10: {  	[smem:$0x3FB3] =	sst s8  }
0x11: {  	[smem:$0x3FB4] =	sst s9;
	s0 =	simm.s32 @!p0 $0x0  }
0x12: {  	s1 =	sld [smem:$0x3F9A];
	s0 =	simm.s32 @p0 $0x1  }
0x13: {  	[smem:$0x3FB5] =	sst s0;
	s0 =	simm.s32 @!p1 $0x0  }
0x14: {  	s2 =	sld [smem:$0x3F99];
	s0 =	simm.s32 @p1 $0x1  }
0x15: {  	[smem:$0x3FB6] =	sst s0;
	s0 =	simm.s32 @!p2 $0x0  }
0x16: {  	s3 =	sld [smem:$0x3FDB];
	s0 =	simm.s32 @p2 $0x1  }
0x17: {  	s4 =	simm.s32 $0x1BF5;
	[smem:$0x3FB8] =	sst s0  }
0x18: {  	s0 =	sld [smem:$0x3F9B];
	_ =	swait.ge [sflag:s4], $0x0  }
0x19: {  	s7 =	sld [smem:$0x3F9C]  }
0x1a: {  	s8 =	sadd.s32 $0xFFFFE003, lr  }
0x1b: {  	s9 =	sadd.s32 $0xFFFFFEF7, lr;
	s5 =	simm.s32 $0xFFFFFFFF;
	p2 =	slt.u32 s8, $0xFFFFF086  }
0x1c: {  	p1 =	slt.u32 s9, $0xF7A;
	s5 =	simm.s32 @!p2 $0x0  }
0x1d: {  	s5 =	simm.s32 @p1 $0x1;
	p0 =	seq.s32 s7, s2  }
0x1e: {  	s7 =	smul.u32 @!p0 $0xF7A, s2;
	p2 =	seq.s32 @!p0 s5, $0x0  }
0x1f: {  	s9 =	smul.u32 $0xF7A, s1;
	s8 =	simm.s32 @!p0 $0x1BF5;
	p2 =	por !p2, p0  }
0x20: {  	[sflag:s8] =	ssyncset.s32 @!p0 $0xFFFFF086;
	s6 =	sadd.s32 @!p0 s3, s7;
	s7 =	simm.s32 @!p0 $0x108  }
0x21: {  	s3 =	sadd.s32 s3, s9;
	s6 =	sadd.s32 @!p0 $0x88, s6;
	s7 =	simm.s32 @p2 $0x1082  }
0x22: {  	[simem:s7], [sflag:s8] =	dma.local @!p0 [hbm:s6], $0xF7A  }
0x23: {  	s9 =	sor.u32 $0xD0000000, s2;
	s6 =	simm.s32 $0x108;
	_ =	swait.ge @!p0 [sflag:s8], $0x0  }
0x24: {  	s3 =	sadd.s32 $0x88, s3;
	s6 =	simm.s32 @!p1 $0x1082;
	[sflag:s4] =	ssyncset.s32 $0xFFFFF086  }
0x25: {  	[simem:s6], [sflag:s4] =	dma.local [hbm:s3], $0xF7A  }
0x26: {  	[smem:$0x3F9C] =	sst s1;
	(tag) =	ssettag s2;
	_ =	strace s9  }
0x27: {  	s1 =	sld [smem:$0x3FAC]  }
0x28: {  	s2 =	sld [smem:$0x3FAD]  }
0x29: {  	s4 =	sld [smem:$0x3FAF]  }
0x2a: {  	p0 =	seq.s32 s5, $0x0;
	s5 =	sld [smem:$0x3FB0]  }
0x2b: {  	s6 =	sld [smem:$0x3FB1]  }
0x2c: {  	s7 =	sld [smem:$0x3FB2]  }
0x2d: {  	s3 =	simm.s32 $0x108;
	s8 =	sld [smem:$0x3FB3]  }
0x2e: {  	s3 =	simm.s32 @!p0 $0x1082;
	s9 =	sld [smem:$0x3FB4]  }
0x2f: {  	lr =	sadd.s32 s0, s3;
	s0 =	sld [smem:$0x3FAB]  }
0x30: {  	s3 =	sld [smem:$0x3FAE]  }
0x31: {  	[smem:$0x3FB7] =	sst s10  }
0x32: {  	s10 =	sld [smem:$0x3FB5];
	_ =	sdelay $0x3  }
0x33: {  	p0 =	seq.s32 s10, $0x1;
	s10 =	sld [smem:$0x3FB7];
	_ =	sdelay $0x3  }
0x34: {  	[smem:$0x3FB7] =	sst s10  }
0x35: {  	s10 =	sld [smem:$0x3FB6];
	_ =	sdelay $0x3  }
0x36: {  	p1 =	seq.s32 s10, $0x1;
	s10 =	sld [smem:$0x3FB7];
	_ =	sdelay $0x3  }
0x37: {  	[smem:$0x3FB7] =	sst s10  }
0x38: {  	s10 =	sld [smem:$0x3FB8]  }
0x39: {  	_ = 	snop;
	(pc) =	sbr.ind lr, $3  }
0x3a: {  	_ = 	snop  }
0x3b: {  	_ = 	snop  }
0x3c: {  	p2 =	seq.s32 s10, $0x1;
	s10 =	sld [smem:$0x3FB7]  }
0x3d: {  	_ =	shalt  }
0x3e: {  	_ =	shalt  }
0x3f: {  	_ =	shalt  }
0x40: {  	_ =	shalt  }
0x41: {  	_ =	shalt  }
0x42: {  	_ =	shalt  }
0x43: {  	_ =	shalt  }
0x44: {  	_ =	shalt  }
0x45: {  	_ =	shalt  }
0x46: {  	_ =	shalt  }
0x47: {  	_ =	shalt  }
0x48: {  	_ =	shalt  }
0x49: {  	_ =	shalt  }
0x4a: {  	_ =	shalt  }
0x4b: {  	_ =	shalt  }
0x4c: {  	_ =	shalt  }
0x4d: {  	_ =	shalt  }
0x4e: {  	_ =	shalt  }
0x4f: {  	_ =	shalt  }
0x50: {  	_ =	shalt  }
0x51: {  	_ =	shalt  }
0x52: {  	_ =	shalt  }
0x53: {  	_ =	shalt  }
0x54: {  	_ =	shalt  }
0x55: {  	_ =	shalt  }
0x56: {  	_ =	shalt  }
0x57: {  	_ =	shalt  }
0x58: {  	_ =	shalt  }
0x59: {  	_ =	shalt  }
0x5a: {  	_ =	shalt  }
0x5b: {  	_ =	shalt  }
0x5c: {  	_ =	shalt  }
0x5d: {  	_ =	shalt  }
0x5e: {  	_ =	shalt  }
0x5f: {  	_ =	shalt  }
0x60: {  	_ =	shalt  }
0x61: {  	_ =	shalt  }
0x62: {  	_ =	shalt  }
0x63: {  	_ =	shalt  }
0x64: {  	_ =	shalt  }
0x65: {  	_ =	shalt  }
0x66: {  	_ =	shalt  }
0x67: {  	_ =	shalt  }
0x68: {  	_ =	shalt  }
0x69: {  	_ =	shalt  }
0x6a: {  	_ =	shalt  }
0x6b: {  	_ =	shalt  }
0x6c: {  	_ =	shalt  }
0x6d: {  	_ =	shalt  }
0x6e: {  	_ =	shalt  }
0x6f: {  	_ =	shalt  }
0x70: {  	_ =	shalt  }
0x71: {  	_ =	shalt  }
0x72: {  	_ =	shalt  }
0x73: {  	_ =	shalt  }
0x74: {  	_ =	shalt  }
0x75: {  	_ =	shalt  }
0x76: {  	_ =	shalt  }
0x77: {  	_ =	shalt  }
0x78: {  	_ =	shalt  }
0x79: {  	_ =	shalt  }
0x7a: {  	_ =	shalt  }
0x7b: {  	_ =	shalt  }
0x7c: {  	_ =	shalt  }
0x7d: {  	_ =	shalt  }
0x7e: {  	_ =	shalt  }
0x7f: {  	_ =	shalt  }
0x80: {  	_ =	shalt  }
0x81: {  	_ =	shalt  }
0x82: {  	_ =	shalt  }
0x83: {  	_ =	shalt  }
0x84: {  	_ =	shalt  }
0x85: {  	_ =	shalt  }
0x86: {  	_ =	shalt  }
0x87: {  	_ =	shalt  }
.Lfunc_end0:
.L_simem_size_0:
called_computation_lowered:
.L_overlay_start_0:
0x88: {  	s0 =	sld [smem:$0x3FD9]  }
0x89: {  	s1 =	sld [smem:$0x3FFE];
	_ =	sdelay $0x3  }
0x8a: {  	s0 =	sadd.s32 s1, s0  }
0x8b: {  	[smem:$0x3FC3] =	sst s0  }
0x8c: {  	_ = 	snop  }
0x8d: {  	s0 =	sld [smem:$0x3FC9]  }
0x8e: {  	s17 =	sld [smem:$0x3FC8]  }
0x8f: {  	s2 =	sld [smem:$0x3FC7]  }
0x90: {  	s3 =	sld [smem:$0x3FC6]  }
0x91: {  	s4 =	sld [smem:$0x3FC5]  }
0x92: {  	s5 =	sld [smem:$0x3FD0];
	(tm) =	ssettm $0x1  }
0x93: {  	s6 =	sld [smem:$0x3FFB];
	_ =	sdelay $0x3  }
0x94: {  	_ =	strace s6  }
0x95: {  	s6 =	sld [smem:$0x3FFC];
	_ =	sdelay $0x3  }
0x96: {  	_ =	strace s6  }
0x97: {  	s6 =	sld [smem:$0x3FFD];
	_ =	sdelay $0x3  }
0x98: {  	_ =	strace s6  }
0x99: {  	_ =	strace $0x8FFFFFFF  }
0x9a: {  	s18 =	sld [smem:$0x3FDB];
	_ =	sdelay $0x1  }
0x9b: {  	s7 =	simm.s32 $_scs_section_size  }
0x9c: {  	s8 =	simm.s32 $_size__tile_overlayer_lowered;
	s9 =	simm.s32 $_tile_overlayer_lowered  }
0x9d: {  	s21 =	simm.s32 $0x1BFF;
	s20 =	sshll.u32 s9, $0x1;
	s6 =	sadd.s32 s7, s18  }
0x9e: {  	s10 =	simm.s32 $0x0;
	s19 =	sshll.u32 s8, $0x1;
	s8 =	sadd.s32 s20, s6  }
0x9f: {  	[timem:s10], [sflag:s21] =	dma.local [hbm:s8], s19  }
0xa0: {  	_ =	swait.ge [sflag:s21], s19  }
0xa1: {  	s7 =	ssub.s32 $0x0, s19;
	[sflag:s21] =	ssyncset.done $0x0  }
0xa2: {  	[sflag:s21] =	ssyncadd.s32 s7;
	_ =	sdelay $0x1  }
0xa3: {  	s22 =	simm.s32 $0x1B8B  }
0xa4: {  	_ =	swait.ge [sflag:s22], $0x1  }
0xa5: {  	[sflag:s22] =	ssyncset.done $0x0  }
0xa6: {  	s23 =	simm.s32 $0x1B8E;
	[sflag:s22] =	ssyncadd.s32 $0xFFFFFFFF  }
0xa7: {  	s24 =	simm.s32 $execute0_lowered;
	[smem:$0x3FD2] =	sst s23  }
0xa8: {  	s7 =	sshll.u32 s24, $0x1;
	_ =	strace $0x80000046;
	[dreg:$0x1] =	wrdreg $0xFFFFFFFF  }
0xa9: {  	s25 =	simm.s32 $_size_execute0_lowered;
	s6 =	sadd.s32 s6, s7;
	[dreg:$0x0] =	wrdreg $0x0  }
0xaa: {  	s7 =	sshll.u32 s25, $0x1;
	[dreg:$0x2] =	wrdreg s6  }
0xab: {  	[dreg:$0x3] =	wrdreg s7  }
0xac: {  	[dreg:$0x4] =	wrdreg $0xC0  }
0xad: {  	_ =	task [dreg:s10], $0x5FFFF  }
0xae: {  	[dreg:$0x1] =	wrdreg $0xFFFFFFFF  }
0xaf: {  	[dreg:$0x0] =	wrdreg $0x60  }
0xb0: {  	[dreg:$0x2] =	wrdreg s0  }
0xb1: {  	[dreg:$0x3] =	wrdreg s17  }
0xb2: {  	[dreg:$0x4] =	wrdreg s2  }
0xb3: {  	[dreg:$0x5] =	wrdreg s3  }
0xb4: {  	[dreg:$0x6] =	wrdreg s4  }
0xb5: {  	[dreg:$0x7] =	wrdreg s5  }
0xb6: {  	[dreg:$0x8] =	wrdreg $0x9  }
0xb7: {  	_ =	task.clear_ibuf [dreg:s10], $0x9FFFF;
	_ =	strace $0x90000046  }
0xb8: {  	s26 =	simm.s32 $0x9;
	_ =	strace $0x80000048  }
0xb9: {  	_ =	swait.ge [sflag:s26], $0x1  }
0xba: {  	[sflag:s26] =	ssyncadd.s32 $0xFFFFFFFF  }
0xbb: {  	_ =	strace $0x90000048  }
0xbc: {  	_ =	sfence  }
0xbd: {  	s28 =	sld [smem:$0x0];
	_ =	sdelay $0x1  }
0xbe: {  	s29 =	srdreg.scid  }
0xbf: {  	s30 =	sshll.u32 s29, $0xD;
	s31 =	sshrl.u32 s29, $0x2  }
0xc0: {  	s1 =	sand.u32 $0x1, s29;
	s2 =	sand.u32 $0x4000, s30;
	s0 =	sadd.s32 s31, s28  }
0xc1: {  	s1 =	sor.u32 s2, s1;
	s0 =	sshll.u32 s0, $0x11  }
0xc2: {  	s0 =	sor.u32 s0, s1  }
0xc3: {  	s0 =	sadd.s32 $0x8F2B, s0  }
0xc4: {  	[sflag:s0] =	ssyncadd.remote.s32 $0x1  }
0xc5: {  	_ =	sfence.sel $0xFFFF  }
0xc6: {  	[dreg:$0x0] =	wrdreg $0xFFFFFFFF;
	(pc) =	sbr.abs _section_cstart, $3  }
0xc7: {  	[dreg:$0x1] =	wrdreg $0xFFFFFFFF  }
0xc8: {  	_ =	task.clear_ibuf [dreg:s10], $0x2FFFF;
	_ =	strace $0x9FFFFFFF  }
0xc9: {  	(tm) =	ssettm $0x7FFFFFFF  }
tec
execute0_lowered:
.L_overlay_start_1:
0x0: {  	(tag) =	ssettag $0x1  }
0x1: {  	s5 =	rddreg [dreg:$0x0]  }
0x2: {  	s6 =	rddreg [dreg:$0x1]  }
0x3: {  	s1 =	rddreg [dreg:$0x2]  }
0x4: {  	s4 =	rddreg [dreg:$0x3]  }
0x5: {  	s7 =	rddreg [dreg:$0x4]  }
0x6: {  	s3 =	rddreg [dreg:$0x5];
	s2 =	simm.s32 $0x0  }
0x7: {  	[smem:$0x7FF] =	sst s2  }
0x8: {  	s0 =	rddreg [dreg:$0x6];
	s8 =	simm.s32 $0xC00;
	_ =	strace $0x80000047  }
0x9: {  	[tilespmem:s8], [sflag:$0x1] =	stream.linear.gather [hbm4b:s1+s2], $0x500, $0x38;
	[tilespmem:$0x1500] =	vst v63  }
0xa: {  	s23 =	stileid.u32;
	s24 =	simm.s32 $0x1400  }
0xb: {  	[tilespmem:s24], [sflag:$0x1] =	stream.linear.gather [hbm4b:s4+s2], $0x80, $0x38;
	[tilespmem:$0x1500] =	vst v63  }
0xc: {  	s26 =	simm.s32 $0x1480;
	s25 =	sshll.u32 s23, $0x7  }
0xd: {  	[tilespmem:s26], [sflag:$0x1] =	stream.linear.gather [hbm4b:s7+s2], $0x1, $0x38;
	[tilespmem:$0x1500] =	vst v63  }
0xe: {  	s5 =	sadd.s32 s5, s25  }
0xf: {  	[tilespmem:s2], [sflag:$0x1] =	stream.linear.gather [hbm4b:s5+s2], $0x400, $0x38;
	[tilespmem:$0x1500] =	vst v63  }
0x10: {  	s29 =	simm.s32 $0x400;
	s30 =	simm.s32 $0x1;
	s28 =	sadd.s32 s6, s25  }
0x11: {  	[tilespmem:s29], [sflag:$0x1] =	stream.linear.gather [hbm4b:s28+s2], $0x400, $0x38;
	[tilespmem:$0x1500] =	vst v63  }
0x12: {  	_ =	swait.ge [sflag:s30], $0x500  }
0x13: {  	[sflag:s30] =	ssyncset.done $0x0  }
0x14: {  	[sflag:s30] =	ssyncadd.s32 $0xFFFFFB00  }
0x15: {  	_ =	swait.ge [sflag:s30], $0x80  }
0x16: {  	[sflag:s30] =	ssyncset.done $0x0  }
0x17: {  	[sflag:s30] =	ssyncadd.s32 $0xFFFFFF80  }
0x18: {  	_ =	swait.ge [sflag:s30], $0x1  }
0x19: {  	[sflag:s30] =	ssyncset.done $0x0  }
0x1a: {  	[sflag:s30] =	ssyncadd.s32 $0xFFFFFFFF  }
0x1b: {  	v0 =	vld [tilespmem:$0x1400]  }
0x1c: {  	v1 =	vld [tilespmem:$0xC00]  }
0x1d: {  	v2 =	vld [tilespmem:$0xC80]  }
0x1e: {  	v3 =	vld [tilespmem:$0xD00]  }
0x1f: {  	v4 =	vld [tilespmem:$0xD80]  }
0x20: {  	v5 =	vld [tilespmem:$0xE00]  }
0x21: {  	v6 =	vld [tilespmem:$0xE80]  }
0x22: {  	v7 =	vld [tilespmem:$0xF00];
	v1 =	vmul.f32 v1, v0  }
0x23: {  	v11 =	vld [tilespmem:$0xF80];
	v2 =	vmul.f32 v2, v0  }
0x24: {  	v13 =	vld [tilespmem:$0x1000];
	v10 =	vmul.f32 v3, v0;
	(xrf2) =	vadd.scan.msk.f32 $0xffff, v1  }
0x25: {  	v15 =	vld [tilespmem:$0x1080];
	v12 =	vmul.f32 v4, v0;
	(xrf2) =	vadd.scan.msk.f32 $0xffff, v2  }
0x26: {  	v14 =	vmul.f32 v5, v0;
	(xrf2) =	vadd.scan.msk.f32 $0xffff, v10  }
0x27: {  	v16 =	vmul.f32 v6, v0;
	(xrf2) =	vadd.scan.msk.f32 $0xffff, v12  }
0x28: {  	v17 =	vmul.f32 v7, v0;
	(xrf2) =	vadd.scan.msk.f32 $0xffff, v14  }
0x29: {  	v18 =	vmul.f32 v11, v0;
	(xrf2) =	vadd.scan.msk.f32 $0xffff, v16  }
0x2a: {  	v19 =	vmul.f32 v13, v0;
	v0 =	vmul.f32 v15, v0;
	(xrf2) =	vadd.scan.msk.f32 $0xffff, v17  }
0x2b: {  	(xrf2) =	vadd.scan.msk.f32 $0xffff, v18  }
0x2c: {  	(xrf2) =	vadd.scan.msk.f32 $0xffff, v19  }
0x2d: {  	(xrf2) =	vadd.scan.msk.f32 $0xffff, v0  }
0x2e: {  	v0, _, _ =	vpop (xrf2)  }
0x2f: {  	v1, _, _ =	vpop (xrf2)  }
0x30: {  	v7, _, _ =	vpop (xrf2)  }
0x31: {  	v8, _, _ =	vpop (xrf2)  }
0x32: {  	v11, _, _ =	vpop (xrf2)  }
0x33: {  	v12, _, _ =	vpop (xrf2)  }
0x34: {  	v15, _, _ =	vpop (xrf2)  }
0x35: {  	v16, _, _ =	vpop (xrf2)  }
0x36: {  	v17, _, _ =	vpop (xrf2)  }
0x37: {  	v18, _, _ =	vpop (xrf2)  }
0x38: {  	v24 =	vld.msk [tilespmem:$0x1480 ss:$0x0], $0xffff;
	_ =	swait.ge [sflag:s30], $0x400  }
0x39: {  	[sflag:s30] =	ssyncset.done $0x0  }
0x3a: {  	[sflag:s30] =	ssyncadd.s32 $0xFFFFFC00  }
0x3b: {  	_ =	swait.ge [sflag:s30], $0x400  }
0x3c: {  	[sflag:s30] =	ssyncset.done $0x0  }
0x3d: {  	[sflag:s30] =	ssyncadd.s32 $0xFFFFFC00  }
0x3e: {  	v27 =	vld [tilespmem:$0x0]  }
0x3f: {  	v28 =	vld [tilespmem:$0x400]  }
0x40: {  	v33 =	vld [tilespmem:$0x10]  }
0x41: {  	v34 =	vld [tilespmem:$0x410]  }
0x42: {  	v37 =	vld [tilespmem:$0x20]  }
0x43: {  	v40 =	vld [tilespmem:$0x420]  }
0x44: {  	v43 =	vld [tilespmem:$0x30]  }
0x45: {  	v44 =	vld [tilespmem:$0x430]  }
0x46: {  	v49 =	vld [tilespmem:$0x40]  }
0x47: {  	v60 =	vld [tilespmem:$0x440]  }
0x48: {  	v61 =	vld [tilespmem:$0x50]  }
0x49: {  	v62 =	vld [tilespmem:$0x450]  }
0x4a: {  	v63 =	vld [tilespmem:$0x60]  }
0x4b: {  	v3 =	vld [tilespmem:$0x460]  }
0x4c: {  	v5 =	vld [tilespmem:$0x70]  }
0x4d: {  	v4 =	vld [tilespmem:$0x470]  }
0x4e: {  	v9 =	vld [tilespmem:$0x80]  }
0x4f: {  	v6 =	vld [tilespmem:$0x480]  }
0x50: {  	v13 =	vld [tilespmem:$0x90]  }
0x51: {  	v10 =	vld [tilespmem:$0x490]  }
0x52: {  	v19 =	vld [tilespmem:$0xA0]  }
0x53: {  	v14 =	vld [tilespmem:$0x4A0]  }
0x54: {  	v50 =	vld [tilespmem:$0xB0]  }
0x55: {  	v59 =	vld [tilespmem:$0x4B0]  }
0x56: {  	v53 =	vld [tilespmem:$0xC0]  }
0x57: {  	v58 =	vld [tilespmem:$0x4C0]  }
0x58: {  	v56 =	vld [tilespmem:$0xD0]  }
0x59: {  	v57 =	vld [tilespmem:$0x4D0]  }
0x5a: {  	v54 =	vld [tilespmem:$0xE0]  }
0x5b: {  	v55 =	vld [tilespmem:$0x4E0]  }
0x5c: {  	v51 =	vld [tilespmem:$0xF0]  }
0x5d: {  	v52 =	vld [tilespmem:$0x4F0]  }
0x5e: {  	v47 =	vld [tilespmem:$0x100]  }
0x5f: {  	v48 =	vld [tilespmem:$0x500]  }
0x60: {  	v45 =	vld [tilespmem:$0x110]  }
0x61: {  	v46 =	vld [tilespmem:$0x510]  }
0x62: {  	v41 =	vld [tilespmem:$0x120]  }
0x63: {  	v42 =	vld [tilespmem:$0x520]  }
0x64: {  	v38 =	vld [tilespmem:$0x130]  }
0x65: {  	v39 =	vld [tilespmem:$0x530]  }
0x66: {  	v35 =	vld [tilespmem:$0x140]  }
0x67: {  	v36 =	vld [tilespmem:$0x540]  }
0x68: {  	v31 =	vld [tilespmem:$0x150]  }
0x69: {  	v32 =	vld [tilespmem:$0x550]  }
0x6a: {  	v29 =	vld [tilespmem:$0x160]  }
0x6b: {  	v30 =	vld [tilespmem:$0x560]  }
0x6c: {  	v20 =	vld [tilespmem:$0x170]  }
0x6d: {  	v21 =	vld [tilespmem:$0x180]  }
0x6e: {  	v22 =	vld [tilespmem:$0x580]  }
0x6f: {  	v25 =	vld [tilespmem:$0x590]  }
0x70: {  	v23 =	vld [tilespmem:$0x190]  }
0x71: {  	v26 =	vld [tilespmem:$0x1A0];
	[tilespmem:$0x1FF60] =	vst v20  }
0x72: {  	[tilespmem:$0x1FF70] =	vst v21;
	v21 =	vld [tilespmem:$0x5A0]  }
0x73: {  	v20 =	vld [tilespmem:$0x570];
	[tilespmem:$0x1FF80] =	vst v22  }
0x74: {  	[tilespmem:$0x1FFA0] =	vst v25;
	v25 =	vld [tilespmem:$0x1C0]  }
0x75: {  	v0 =	vbroadcast v0, $0xF;
	[tilespmem:$0x1FF90] =	vst v23;
	v22 =	vld [tilespmem:$0x1B0]  }
0x76: {  	vm0 =	vmmov $0x1;
	vm7 =	vcmask $0x328;
	v1 =	vbroadcast v1, $0xF;
	[tilespmem:$0x1FFB0] =	vst v26;
	v23 =	vld [tilespmem:$0x5B0]  }
0x77: {  	v0 =	vnsel vm0, $0x0, v0;
	v26 =	vbroadcast v8, $0xF;
	v8 =	vld [tilespmem:$0x1D0];
	[tilespmem:$0x1FFC0] =	vst v21;
	v21 =	vbroadcast v7, $0xF  }
0x78: {  	vm8 =	vcmask $0x728;
	v0 =	vsel vm7, v0, v1;
	v7 =	vld [tilespmem:$0x5C0]  }
0x79: {  	vm9 =	vcmask $0xB28;
	[tilespmem:$0x1FFF0] =	vst v25;
	v25 =	vbroadcast v11, $0xF;
	v11 =	vld [tilespmem:$0x5D0];
	v0 =	vsel vm8, v0, v21  }
0x7a: {  	vm10 =	vcmask $0xF28;
	[tilespmem:$0x1FFD0] =	vst v22;
	v22 =	vld [tilespmem:$0x200];
	v0 =	vsel vm9, v0, v26;
	v26 =	vbroadcast v12, $0xF  }
0x7b: {  	vm11 =	vcmask $0x1328;
	[tilespmem:$0x1FFE0] =	vst v23;
	v23 =	vld [tilespmem:$0x210];
	v0 =	vsel vm10, v0, v25;
	v25 =	vbroadcast v15, $0xF  }
0x7c: {  	vm12 =	vcmask $0x1728;
	v21 =	vld [tilespmem:$0x5F0];
	v0 =	vsel vm11, v0, v26;
	v26 =	vbroadcast v16, $0xF  }
0x7d: {  	vm13 =	vcmask $0x1B28;
	v17 =	vbroadcast v17, $0xF;
	v12 =	vld [tilespmem:$0x1E0];
	v0 =	vsel vm12, v0, v25  }
0x7e: {  	vm14 =	vcmask $0x1F28;
	v18 =	vbroadcast v18, $0xF;
	v15 =	vld [tilespmem:$0x5E0];
	v0 =	vsel vm13, v0, v26  }
0x7f: {  	vm15 =	vcmask $0x2328;
	v16 =	vld [tilespmem:$0x1F0];
	v0 =	vsel vm14, v0, v17  }
0x80: {  	v25 =	vld [tilespmem:$0x610];
	v0 =	vsel vm15, v0, v18  }
0x81: {  	v26 =	vld [tilespmem:$0x600];
	v1 =	vadd.f32 v0, v24  }
0x82: {  	v17 =	vld [tilespmem:$0x220]  }
0x83: {  	v18 =	vld [tilespmem:$0x230];
	v28 =	vperm.xlane v0, v28;
	v27 =	vperm.xlane v1, v27  }
0x84: {  	v24 =	vld [tilespmem:$0x620];
	v34 =	vperm.xlane v0, v34  }
0x85: {  	v40 =	vperm.xlane v0, v40;
	v33 =	vperm.xlane v1, v33;
	v2 =	vadd.f32 v28, v27;
	v27 =	vld [tilespmem:$0x630]  }
0x86: {  	v44 =	vperm.xlane v0, v44;
	v43 =	vperm.xlane v1, v43;
	v28 =	vld [tilespmem:$0x240]  }
0x87: {  	v60 =	vperm.xlane v0, v60;
	v37 =	vperm.xlane v1, v37;
	v34 =	vadd.f32 v34, v33;
	v33 =	vld [tilespmem:$0x640]  }
0x88: {  	v43 =	vadd.f32 v44, v43;
	v44 =	vperm.xlane v1, v61;
	v61 =	vperm.xlane v0, v10;
	v10 =	vld [tilespmem:$0x2B0];
	[tilespmem:$0x800] =	vst v2  }
0x89: {  	v2 =	vadd.f32 v40, v37;
	v37 =	vperm.xlane v1, v49;
	[tilespmem:$0x810] =	vst v34;
	v49 =	vperm.xlane v0, v62;
	v34 =	vld [tilespmem:$0x250]  }
0x8a: {  	v3 =	vperm.xlane v0, v3;
	[tilespmem:$0x830] =	vst v43;
	v40 =	vld [tilespmem:$0x260]  }
0x8b: {  	v43 =	vld [tilespmem:$0x660];
	[tilespmem:$0x820] =	vst v2;
	v2 =	vadd.f32 v60, v37;
	v60 =	vperm.xlane v1, v63;
	v44 =	vadd.f32 v49, v44  }
0x8c: {  	v6 =	vperm.xlane v0, v6;
	v37 =	vld [tilespmem:$0x650];
	v49 =	vperm.xlane v1, v9  }
0x8d: {  	v4 =	vperm.xlane v0, v4;
	v63 =	vadd.f32 v3, v60;
	[tilespmem:$0x850] =	vst v44;
	v44 =	vld [tilespmem:$0x270]  }
0x8e: {  	v60 =	vperm.xlane v1, v13;
	v62 =	vadd.f32 v6, v49;
	v13 =	vperm.xlane v0, v14;
	v49 =	vld [tilespmem:$0x670]  }
0x8f: {  	[tilespmem:$0x860] =	vst v63;
	v63 =	vperm.xlane v1, v19;
	v19 =	vperm.xlane v1, v50;
	v50 =	vld [tilespmem:$0x280]  }
0x90: {  	v14 =	vadd.f32 v61, v60;
	v60 =	vperm.xlane v0, v59;
	[tilespmem:$0x880] =	vst v62;
	v62 =	vperm.xlane v1, v53;
	v53 =	vld [tilespmem:$0x680]  }
0x91: {  	v59 =	vperm.xlane v0, v46;
	v46 =	vperm.xlane v0, v36;
	v36 =	vld [tilespmem:$0x1FF70]  }
0x92: {  	v61 =	vadd.f32 v13, v63;
	v63 =	vperm.xlane v0, v58;
	[tilespmem:$0x890] =	vst v14;
	v14 =	vperm.xlane v1, v56;
	v56 =	vld [tilespmem:$0x290]  }
0x93: {  	v13 =	vadd.f32 v60, v19;
	v58 =	vperm.xlane v1, v45;
	v45 =	vperm.xlane v1, v35;
	v35 =	vld [tilespmem:$0x6F0]  }
0x94: {  	v19 =	vperm.xlane v0, v57;
	[tilespmem:$0x8A0] =	vst v61;
	v61 =	vperm.xlane v1, v54;
	v54 =	vld [tilespmem:$0x690]  }
0x95: {  	v5 =	vperm.xlane v1, v5;
	v60 =	vadd.f32 v63, v62;
	[tilespmem:$0x8B0] =	vst v13;
	v13 =	vperm.xlane v1, v51;
	v51 =	vld [tilespmem:$0x2A0]  }
0x96: {  	v63 =	vadd.f32 v19, v14;
	v14 =	vperm.xlane v0, v52;
	v52 =	vperm.xlane v1, v47;
	v47 =	vld [tilespmem:$0x6A0]  }
0x97: {  	v62 =	vperm.xlane v0, v55;
	v3 =	vperm.xlane v1, v36;
	v36 =	vld [tilespmem:$0x300]  }
0x98: {  	v55 =	vperm.xlane v0, v48;
	v57 =	vadd.f32 v14, v13;
	v13 =	vld [tilespmem:$0x6B0]  }
0x99: {  	v38 =	vperm.xlane v1, v38;
	v4 =	vadd.f32 v4, v5;
	v19 =	vadd.f32 v62, v61;
	v14 =	vld [tilespmem:$0x2C0]  }
0x9a: {  	[tilespmem:$0x8C0] =	vst v60;
	v60 =	vadd.f32 v55, v52;
	v61 =	vperm.xlane v1, v41;
	v52 =	vperm.xlane v1, v31;
	v31 =	vld [tilespmem:$0x2D0]  }
0x9b: {  	[tilespmem:$0x8D0] =	vst v63;
	v62 =	vperm.xlane v0, v42;
	v63 =	vadd.f32 v59, v58;
	v58 =	vperm.xlane v1, v29;
	v29 =	vld [tilespmem:$0x6D0]  }
0x9c: {  	v41 =	vperm.xlane v0, v39;
	v59 =	vperm.xlane v0, v30;
	v30 =	vld [tilespmem:$0x6E0]  }
0x9d: {  	[tilespmem:$0x870] =	vst v4;
	v42 =	vadd.f32 v62, v61;
	v61 =	vld [tilespmem:$0x1FF60]  }
0x9e: {  	[tilespmem:$0x8F0] =	vst v57;
	v48 =	vadd.f32 v41, v38;
	v38 =	vld [tilespmem:$0x1FF80]  }
0x9f: {  	[tilespmem:$0x900] =	vst v60;
	v41 =	vld [tilespmem:$0x1FF90]  }
0xa0: {  	v55 =	vperm.xlane v0, v32;
	[tilespmem:$0x910] =	vst v63;
	v57 =	vadd.f32 v46, v45;
	v46 =	vld [tilespmem:$0x1FFB0]  }
0xa1: {  	[tilespmem:$0x920] =	vst v42;
	v42 =	vld [tilespmem:$0x1FFA0]  }
0xa2: {  	v60 =	vadd.f32 v55, v52;
	[tilespmem:$0x930] =	vst v48;
	v48 =	vld [tilespmem:$0x1FFC0]  }
0xa3: {  	v62 =	vperm.xlane v0, v20;
	v63 =	vadd.f32 v59, v58;
	v55 =	vld [tilespmem:$0x1FFD0];
	[tilespmem:$0x940] =	vst v57  }
0xa4: {  	[tilespmem:$0x950] =	vst v60;
	v57 =	vld [tilespmem:$0x1FFE0];
	v60 =	vperm.xlane v0, v7;
	v5 =	vperm.xlane v1, v61  }
0xa5: {  	v59 =	vld [tilespmem:$0x1FFF0];
	[tilespmem:$0x960] =	vst v63;
	v63 =	vperm.xlane v0, v11;
	v6 =	vperm.xlane v0, v38  }
0xa6: {  	[tilespmem:$0x840] =	vst v2;
	v32 =	vld [tilespmem:$0x2F0];
	v39 =	vadd.f32 v62, v5;
	v5 =	vperm.xlane v1, v41;
	v9 =	vperm.xlane v0, v42  }
0xa7: {  	[tilespmem:$0x8E0] =	vst v19;
	v19 =	vld [tilespmem:$0x6C0];
	v45 =	vadd.f32 v6, v3;
	v3 =	vperm.xlane v1, v46;
	v6 =	vperm.xlane v0, v48  }
0xa8: {  	v20 =	vld [tilespmem:$0x2E0];
	v62 =	vperm.xlane v1, v8;
	v41 =	vperm.xlane v0, v15;
	[tilespmem:$0x970] =	vst v39;
	v52 =	vadd.f32 v9, v5  }
0xa9: {  	v7 =	vld [tilespmem:$0x700];
	v5 =	vperm.xlane v1, v55;
	v9 =	vperm.xlane v0, v57;
	[tilespmem:$0x980] =	vst v45;
	v58 =	vadd.f32 v6, v3  }
0xaa: {  	v11 =	vld [tilespmem:$0x710];
	v46 =	vperm.xlane v0, v21;
	v3 =	vperm.xlane v1, v59;
	v42 =	vadd.f32 v63, v62;
	[tilespmem:$0x990] =	vst v52  }
0xab: {  	v15 =	vld [tilespmem:$0x720];
	v39 =	vperm.xlane v1, v12;
	v45 =	vperm.xlane v1, v16;
	v61 =	vadd.f32 v9, v5;
	[tilespmem:$0x9A0] =	vst v58  }
0xac: {  	v21 =	vld [tilespmem:$0x740];
	v59 =	vperm.xlane v0, v25;
	v62 =	vperm.xlane v0, v24;
	v38 =	vadd.f32 v60, v3;
	[tilespmem:$0x9D0] =	vst v42  }
0xad: {  	v12 =	vld [tilespmem:$0x320];
	v24 =	vperm.xlane v1, v18;
	v25 =	vperm.xlane v0, v27;
	v48 =	vadd.f32 v41, v39;
	[tilespmem:$0x9B0] =	vst v61  }
0xae: {  	v16 =	vld [tilespmem:$0x330];
	v27 =	vperm.xlane v1, v28;
	v28 =	vperm.xlane v0, v33;
	v57 =	vadd.f32 v46, v45;
	[tilespmem:$0x9C0] =	vst v38  }
0xaf: {  	v55 =	vperm.xlane v0, v26;
	v18 =	vld [tilespmem:$0x340];
	v52 =	vperm.xlane v1, v22;
	v33 =	vadd.f32 v25, v24;
	[tilespmem:$0x9E0] =	vst v48  }
0xb0: {  	v43 =	vperm.xlane v0, v43;
	v9 =	vld [tilespmem:$0x310];
	v58 =	vperm.xlane v1, v23;
	v41 =	vadd.f32 v28, v27;
	[tilespmem:$0x9F0] =	vst v57  }
0xb1: {  	v50 =	vperm.xlane v1, v50;
	v22 =	vld [tilespmem:$0x350];
	v42 =	vperm.xlane v1, v40;
	v60 =	vadd.f32 v55, v52;
	[tilespmem:$0xA30] =	vst v33  }
0xb2: {  	v39 =	vperm.xlane v0, v37;
	v23 =	vld [tilespmem:$0x750];
	v61 =	vperm.xlane v1, v17;
	v63 =	vadd.f32 v59, v58;
	[tilespmem:$0xA40] =	vst v41  }
0xb3: {  	v24 =	vld [tilespmem:$0x360];
	v38 =	vperm.xlane v1, v34;
	v48 =	vperm.xlane v0, v49;
	v49 =	vadd.f32 v43, v42;
	[tilespmem:$0xA00] =	vst v60  }
0xb4: {  	v46 =	vperm.xlane v1, v44;
	v25 =	vld [tilespmem:$0x760];
	v28 =	vperm.xlane v1, v14;
	v26 =	vadd.f32 v62, v61;
	[tilespmem:$0xA10] =	vst v63  }
0xb5: {  	v27 =	vld [tilespmem:$0x770];
	v40 =	vperm.xlane v1, v20;
	v52 =	vperm.xlane v0, v53;
	v45 =	vadd.f32 v39, v38;
	[tilespmem:$0xA60] =	vst v49  }
0xb6: {  	v14 =	vld [tilespmem:$0x390];
	v55 =	vperm.xlane v1, v56;
	v56 =	vperm.xlane v0, v54;
	v53 =	vadd.f32 v48, v46;
	[tilespmem:$0xA20] =	vst v26  }
0xb7: {  	v20 =	vld [tilespmem:$0x3A0];
	v58 =	vperm.xlane v1, v51;
	v59 =	vperm.xlane v0, v47;
	v57 =	vadd.f32 v52, v50;
	[tilespmem:$0xA50] =	vst v45  }
0xb8: {  	v44 =	vperm.xlane v0, v35;
	v17 =	vld [tilespmem:$0x730];
	v33 =	vperm.xlane v0, v19;
	v60 =	vadd.f32 v56, v55;
	[tilespmem:$0xA70] =	vst v53  }
0xb9: {  	v19 =	vld [tilespmem:$0x790];
	v43 =	vperm.xlane v1, v32;
	v47 =	vperm.xlane v0, v7;
	v63 =	vadd.f32 v59, v58;
	[tilespmem:$0xA80] =	vst v57  }
0xba: {  	v7 =	vld [tilespmem:$0x7A0];
	v61 =	vperm.xlane v1, v10;
	v62 =	vperm.xlane v0, v13;
	v39 =	vadd.f32 v33, v28;
	[tilespmem:$0xA90] =	vst v60  }
0xbb: {  	v37 =	vperm.xlane v1, v31;
	v51 =	vld [tilespmem:$0x3B0];
	v38 =	vperm.xlane v0, v29;
	v48 =	vadd.f32 v44, v43;
	[tilespmem:$0xAA0] =	vst v63  }
0xbc: {  	v41 =	vperm.xlane v0, v30;
	v10 =	vld [tilespmem:$0x380];
	v34 =	vadd.f32 v62, v61;
	[tilespmem:$0xAC0] =	vst v39  }
0xbd: {  	v13 =	vld [tilespmem:$0x780];
	v46 =	vperm.xlane v1, v36;
	v42 =	vadd.f32 v38, v37;
	[tilespmem:$0xAF0] =	vst v48  }
0xbe: {  	v50 =	vperm.xlane v0, v11;
	v55 =	vld [tilespmem:$0x7B0];
	v49 =	vperm.xlane v1, v9;
	v45 =	vadd.f32 v41, v40;
	[tilespmem:$0xAB0] =	vst v34  }
0xbf: {  	v59 =	vld [tilespmem:$0x3C0];
	v31 =	vperm.xlane v1, v24;
	v32 =	vperm.xlane v0, v25;
	v52 =	vadd.f32 v47, v46;
	[tilespmem:$0xAD0] =	vst v42  }
0xc0: {  	v54 =	vperm.xlane v0, v15;
	v29 =	vld [tilespmem:$0x3D0];
	v53 =	vperm.xlane v1, v12;
	v56 =	vadd.f32 v50, v49;
	[tilespmem:$0xAE0] =	vst v45  }
0xc1: {  	v33 =	vld [tilespmem:$0x7D0];
	v61 =	vperm.xlane v1, v18;
	v62 =	vperm.xlane v0, v21;
	v38 =	vadd.f32 v32, v31;
	[tilespmem:$0xB00] =	vst v52  }
0xc2: {  	v22 =	vperm.xlane v1, v22;
	v28 =	vperm.xlane v0, v23;
	v26 =	vld [tilespmem:$0x370];
	v60 =	vadd.f32 v54, v53;
	[tilespmem:$0xB10] =	vst v56  }
0xc3: {  	v57 =	vperm.xlane v1, v16;
	v63 =	vld [tilespmem:$0x7C0];
	v58 =	vperm.xlane v0, v17;
	v30 =	vadd.f32 v62, v61;
	[tilespmem:$0xB60] =	vst v38  }
0xc4: {  	v43 =	vperm.xlane v1, v14;
	v37 =	vld [tilespmem:$0x3E0];
	v44 =	vperm.xlane v0, v19;
	v34 =	vadd.f32 v28, v22;
	[tilespmem:$0xB20] =	vst v60  }
0xc5: {  	v41 =	vld [tilespmem:$0x7E0];
	v47 =	vperm.xlane v1, v20;
	v48 =	vperm.xlane v0, v7;
	v21 =	vadd.f32 v58, v57;
	[tilespmem:$0xB40] =	vst v30  }
0xc6: {  	v49 =	vld [tilespmem:$0x7F0];
	v39 =	vperm.xlane v1, v10;
	v40 =	vperm.xlane v0, v13;
	v50 =	vadd.f32 v44, v43;
	[tilespmem:$0xB50] =	vst v34  }
0xc7: {  	v51 =	vperm.xlane v1, v51;
	v45 =	vld [tilespmem:$0x3F0];
	v52 =	vperm.xlane v0, v55;
	v53 =	vadd.f32 v48, v47;
	[tilespmem:$0xB30] =	vst v21  }
0xc8: {  	v57 =	vperm.xlane v1, v29;
	v58 =	vperm.xlane v0, v33;
	v46 =	vadd.f32 v40, v39;
	[tilespmem:$0xB90] =	vst v50  }
0xc9: {  	v36 =	vperm.xlane v0, v27;
	v35 =	vperm.xlane v1, v26;
	v56 =	vadd.f32 v52, v51;
	[tilespmem:$0xBA0] =	vst v53  }
0xca: {  	v54 =	vperm.xlane v1, v59;
	v55 =	vperm.xlane v0, v63;
	v62 =	vadd.f32 v58, v57;
	[tilespmem:$0xB80] =	vst v46  }
0xcb: {  	v60 =	vperm.xlane v1, v37;
	v61 =	vperm.xlane v0, v41;
	v42 =	vadd.f32 v36, v35;
	[tilespmem:$0xBB0] =	vst v56  }
0xcc: {  	v0 =	vperm.xlane v0, v49;
	v59 =	vadd.f32 v55, v54;
	v1 =	vperm.xlane v1, v45;
	[tilespmem:$0xBD0] =	vst v62  }
0xcd: {  	v63 =	vadd.f32 v61, v60;
	[tilespmem:$0xB70] =	vst v42  }
0xce: {  	[tilespmem:$0xBC0] =	vst v59;
	v0 =	vadd.f32 v0, v1  }
0xcf: {  	[tilespmem:$0xBE0] =	vst v63  }
0xd0: {  	s31 =	simm.s32 $0x800;
	s3 =	sadd.s32 s3, s25;
	[tilespmem:$0xBF0] =	vst v0  }
0xd1: {  	[hbm4b:s3+s2] =	stream.linear.scatter [tilespmem:s31], [sflag:$0x1], $0x400, $0x38;
	[tilespmem:$0x1500] =	vst v63  }
0xd2: {  	_ =	swait.ge [sflag:s30], $0x400  }
0xd3: {  	[sflag:s30] =	ssyncset.done $0x0  }
0xd4: {  	[sflag:s30] =	ssyncadd.s32 $0xFFFFFC00  }
0xd5: {  	_ =	sfence.sel $0x180000  }
0xd6: {  	[bflag:$0x0] =	sbarrier.arrive $0xFFFF  }
0xd7: {  	p0 =	sne.s32 s23, $0x0;
	_ =	strace $0x90000047  }
0xd8: {  	s0 =	sadd.s32 @!p0 $0x100000, s0;
	[bflag:$0x2] =	sbarrier.arrive $0xFFFF  }
0xd9: {  	[sflag:s0] =	ssyncadd.tile.s32 @!p0 $0x1;
	_ =	shalt  }
.Lfunc_end2:
_tile_overlayer_lowered:
.L_overlay_start_2:
0xda: {  	(tag) =	ssettag $0x2  }
0xdb: {  	s0 =	rddreg [dreg:$0x0];
	s2 =	stileid.u32  }
0xdc: {  	s1 =	rddreg [dreg:$0x1];
	p0 =	sne.s32 s2, $0x0  }
0xdd: {  	s3 =	rddreg [dreg:$0x2];
	[bflag:$0x3] =	sbarrier.arrive $0xFFFF;
	s2 =	simm.s32 @!p0 $0x1C02  }
0xde: {  	[timem:s3], [sflag:s2] =	dma.local @!p0 [hbm:s0], s1  }
0xdf: {  	s0 =	simm.s32 @!p0 $0x2  }
0xe0: {  	_ =	swait.ge @!p0 [sflag:s0], s1  }
0xe1: {  	s1 =	ssub.s32 @!p0 $0x0, s1;
	[sflag:s0] =	ssyncset.done @!p0 $0x0  }
0xe2: {  	[sflag:s0] =	ssyncadd.s32 @!p0 s1  }
0xe3: {  	[bflag:$0x3] =	sbarrier.arrive $0xFFFF  }
0xe4: {  	_ =	shalt  }

</sc_bundles>
